<compile_context>
chip_gen: v7x
topology: tpu7x:2x2x1
jax: 0.10.2.dev20260603
libtpu: 0.0.44.dev20260713+nightly
codegen_flags: <defaults>
</compile_context>

<pallas_src>
import jax
import jax.numpy as jnp
from jax import lax
from jax.experimental import pallas as pl
from jax.experimental.pallas import tpu as pltpu
from jax.experimental.pallas import tpu_sc as plsc

_TAIL = 3.0
_NB = 32
_MBW = 0.001
_MBH = 0.001
_BW = 1.0 - _MBW * _NB

_NC = 2
_NS = 16
_NW = _NC * _NS
_L = 16

_R = 512
_GROUPS = _R // _L

_LN2 = 0.6931471805599453
_SQRT2 = 1.4142135623730951


def _softlog(x):
    bits = lax.bitcast_convert_type(x, jnp.int32)
    e = lax.shift_right_logical(bits, 23) - 127
    m = lax.bitcast_convert_type(
        (bits & jnp.int32(0x007FFFFF)) | jnp.int32(0x3F800000), jnp.float32)
    big = m > _SQRT2
    m = jnp.where(big, m * 0.5, m)
    ef = e.astype(jnp.float32) + jnp.where(big, 1.0, 0.0)
    s = (m - 1.0) / (m + 1.0)
    z = s * s
    p = 2.0 + z * (0.6666666666 + z * (0.4 + z * 0.2857142857))
    return ef * _LN2 + s * p


def _qs_body(x_hbm, w_hbm, h_hbm, oo_hbm, ol_hbm,
             x_v0, w_v0, h_v0, x_v1, w_v1, h_v1, oo_v, ol_v,
             ew_s, eh_s, l_s, q_s, sem0, sem1):
    wid = lax.axis_index("s") * _NC + lax.axis_index("c")
    nd = x_hbm.shape[0]
    nr = x_hbm.shape[1]
    dpw = nd // _NW
    rchunks = nr // _R
    nch = dpw * rchunks
    iota = lax.iota(jnp.int32, _L)
    zeros = jnp.zeros((_L,), jnp.float32)
    l_s[pl.ds(0, _L)] = zeros
    q_s[pl.ds(0, _L)] = zeros

    bufs = ((x_v0, w_v0, h_v0, sem0), (x_v1, w_v1, h_v1, sem1))

    def _addr(ci):
        return wid * dpw + ci // rchunks, (ci % rchunks) * _R

    def _descs(ci, buf):
        x_v, w_v, h_v, sem = buf
        d, r0 = _addr(ci)
        return (
            pltpu.make_async_copy(w_hbm.at[d, :, pl.ds(r0, _R)], w_v, sem),
            pltpu.make_async_copy(h_hbm.at[:, d, pl.ds(r0, _R)], h_v, sem),
            pltpu.make_async_copy(x_hbm.at[d, pl.ds(r0, _R)], x_v, sem),
        )

    def _start(ci, buf):
        for desc in _descs(ci, buf):
            desc.start()

    def _wait(ci, buf):
        for desc in _descs(ci, buf):
            desc.wait()

    def _compute(ci, buf):
        x_v, w_v, h_v, _ = buf
        d, r0 = _addr(ci)

        @pl.loop(0, _GROUPS)
        def _group(g):
            rc = g * _L
            xin = x_v[pl.ds(rc, _L)]
            t = (jnp.clip(xin, -_TAIL, _TAIL) + _TAIL) * (1.0 / (2.0 * _TAIL))

            @plsc.parallel_loop(0, _NB, unroll=8, carry=zeros)
            def s1(j, acc):
                ew = jnp.exp(w_v[j, pl.ds(rc, _L)])
                ew_s[pl.ds(j * _L, _L)] = ew
                return acc + ew

            binv = _BW / s1

            eh0 = jnp.exp(h_v[0, pl.ds(rc, _L)])
            eh_s[pl.ds(0, _L)] = eh0

            @plsc.parallel_loop(1, _NB + 1, unroll=16,
                                carry=(zeros, zeros, iota * 0, eh0))
            def carry_hb(j, c):
                cl, cq, idx, ehp = c
                eh = jnp.exp(h_v[j, pl.ds(rc, _L)])
                eh_s[pl.ds(j * _L, _L)] = eh
                ew = ew_s[pl.ds(j * _L - _L, _L)]
                w = _MBW + binv * ew
                cl = cl + w
                l_s[pl.ds(j * _L, _L)] = cl
                cq = cq + (ehp + eh) * w
                q_s[pl.ds(j * _L, _L)] = cq
                take = (t >= cl) & (j < _NB)
                idx = idx + jnp.where(take, 1, 0)
                return cl, cq, idx, eh

            _, cq_tot, idx, _eh_last = carry_hb
            k2 = (1.0 - _MBH) / cq_tot
            hmb2 = 0.5 * _MBH

            lo16 = idx * _L + iota
            loc = plsc.load_gather(l_s, [lo16])
            cqa = plsc.load_gather(q_s, [lo16])
            wat = _MBW + binv * plsc.load_gather(ew_s, [lo16])
            hl2 = hmb2 + k2 * plsc.load_gather(eh_s, [lo16])
            hr2 = hmb2 + k2 * plsc.load_gather(eh_s, [lo16 + _L])
            cdf = _MBH * loc + k2 * cqa

            alpha = (t - loc) / wat
            dh2 = hr2 - hl2
            out = wat * alpha * (dh2 * alpha + 2.0 * hl2) + cdf
            out = jnp.clip(out, 0.0, 1.0) * (2.0 * _TAIL) - _TAIL
            den = 2.0 * (alpha * dh2 + hl2)
            lad = _softlog(den)

            inside = (xin >= -_TAIL) & (xin <= _TAIL)
            oo_v[pl.ds(rc, _L)] = jnp.where(inside, out, xin)
            ol_v[pl.ds(rc, _L)] = jnp.where(inside, lad, 0.0)

        pltpu.sync_copy(oo_v, oo_hbm.at[d, pl.ds(r0, _R)])
        pltpu.sync_copy(ol_v, ol_hbm.at[d, pl.ds(r0, _R)])

    _start(0, bufs[0])

    @pl.loop(0, nch, step=2)
    def _chunk2(cj):
        _start(cj + 1, bufs[1])
        _wait(cj, bufs[0])
        _compute(cj, bufs[0])

        @pl.when(cj + 2 < nch)
        def _():
            _start(cj + 2, bufs[0])

        _wait(cj + 1, bufs[1])
        _compute(cj + 1, bufs[1])


def _make_qs(nd, nr):
    mesh = plsc.VectorSubcoreMesh(core_axis_name="c", subcore_axis_name="s",
                                  num_cores=_NC, num_subcores=_NS)
    return pl.kernel(
        _qs_body,
        out_type=(jax.ShapeDtypeStruct((nd, nr), jnp.float32),
                  jax.ShapeDtypeStruct((nd, nr), jnp.float32)),
        mesh=mesh,
        compiler_params=pltpu.CompilerParams(needs_layout_passes=False,
                                             use_tc_tiling_on_sc=True),
        scratch_types=[
            pltpu.VMEM((_R,), jnp.float32),
            pltpu.VMEM((_NB, _R), jnp.float32),
            pltpu.VMEM((_NB + 1, _R), jnp.float32),
            pltpu.VMEM((_R,), jnp.float32),
            pltpu.VMEM((_NB, _R), jnp.float32),
            pltpu.VMEM((_NB + 1, _R), jnp.float32),
            pltpu.VMEM((_R,), jnp.float32),
            pltpu.VMEM((_R,), jnp.float32),
            pltpu.VMEM((_NB * _L,), jnp.float32),
            pltpu.VMEM(((_NB + 1) * _L,), jnp.float32),
            pltpu.VMEM(((_NB + 1) * _L,), jnp.float32),
            pltpu.VMEM(((_NB + 1) * _L,), jnp.float32),
            pltpu.SemaphoreType.DMA,
            pltpu.SemaphoreType.DMA,
        ],
    )


@jax.jit
def kernel(x, w_, h_):
    n, d = x.shape
    qs = _make_qs(d, n)
    oo, ol = qs(x.T, w_.transpose(1, 2, 0), h_.transpose(2, 1, 0))
    return oo.T, ol.T

# --- scband reference (transcript-rebuilt; emitter-appended) ---
"""Pipeline reference for scband-qs-70806830842453 (READ-ONLY COPY).

The authoritative reference and input builder live on the scoring server;
editing this copy changes nothing except your own understanding.
"""

import jax, jax.numpy as jnp
import numpy as np

TAIL_BOUND = 3.0
NUM_BINS = 32
MIN_BIN_WIDTH = 0.001
MIN_BIN_HEIGHT = 0.001

def _quadratic_spline(inputs, uw, uh, inverse, left, right, bottom, top, min_bin_width, min_bin_height):
    inputs = (inputs - left) / (right - left)
    num_bins = uw.shape[-1]
    widths = jax.nn.softmax(uw, axis=-1)
    widths = min_bin_width + (1.0 - min_bin_width * num_bins) * widths
    uh_exp = jnp.exp(uh)
    unnormalized_area = jnp.sum(0.5 * (uh_exp[..., :-1] + uh_exp[..., 1:]) * widths, axis=-1, keepdims=True)
    heights = uh_exp / unnormalized_area
    heights = min_bin_height + (1.0 - min_bin_height) * heights
    bin_left_cdf = jnp.cumsum(0.5 * (heights[..., :-1] + heights[..., 1:]) * widths, axis=-1)
    bin_left_cdf = bin_left_cdf.at[..., -1].set(1.0)
    pad = [(0, 0)] * (bin_left_cdf.ndim - 1) + [(1, 0)]
    bin_left_cdf = jnp.pad(bin_left_cdf, pad)
    bin_locations = jnp.cumsum(widths, axis=-1)
    bin_locations = bin_locations.at[..., -1].set(1.0)
    bin_locations = jnp.pad(bin_locations, pad)
    if inverse:
        bin_idx = jnp.sum((inputs[..., None] >= bin_left_cdf).astype(jnp.int32), axis=-1) - 1
    else:
        bin_idx = jnp.sum((inputs[..., None] >= bin_locations).astype(jnp.int32), axis=-1) - 1
    bin_idx = jnp.clip(bin_idx, 0, num_bins - 1)
    def take(t, idx):
        return jnp.take_along_axis(t, idx[..., None], axis=-1)[..., 0]
    input_bin_locations = take(bin_locations, bin_idx)
    input_bin_widths = take(widths, bin_idx)
    input_left_cdf = take(bin_left_cdf, bin_idx)
    input_left_heights = take(heights, bin_idx)
    input_right_heights = take(heights, bin_idx + 1)
    a = 0.5 * (input_right_heights - input_left_heights) * input_bin_widths
    b = input_left_heights * input_bin_widths
    c = input_left_cdf
    if inverse:
        c_ = c - inputs
        disc = jnp.maximum(b * b - 4.0 * a * c_, 0.0)
        alpha = (-b + jnp.sqrt(disc)) / (2.0 * a)
        outputs = alpha * input_bin_widths + input_bin_locations
        outputs = jnp.clip(outputs, 0.0, 1.0)
        logabsdet = -jnp.log(alpha * (input_right_heights - input_left_heights) + input_left_heights)
    else:
        alpha = (inputs - input_bin_locations) / input_bin_widths
        outputs = a * alpha * alpha + b * alpha + c
        outputs = jnp.clip(outputs, 0.0, 1.0)
        logabsdet = jnp.log(alpha * (input_right_heights - input_left_heights) + input_left_heights)
    outputs = outputs * (top - bottom) + bottom
    logabsdet = logabsdet + np.log(top - bottom) - np.log(right - left)
    return outputs, logabsdet

def _unconstrained_quadratic_spline(inputs, uw, uh, inverse=False, tail_bound=TAIL_BOUND, min_bin_width=MIN_BIN_WIDTH, min_bin_height=MIN_BIN_HEIGHT):
    inside = (inputs >= -tail_bound) & (inputs <= tail_bound)
    clipped = jnp.clip(inputs, -tail_bound, tail_bound)
    s_out, s_lad = _quadratic_spline(clipped, uw, uh, inverse, -tail_bound, tail_bound, -tail_bound, tail_bound, min_bin_width, min_bin_height)
    outputs = jnp.where(inside, s_out, inputs)
    logabsdet = jnp.where(inside, s_lad, jnp.zeros_like(inputs))
    return outputs, logabsdet

def setup_inputs(seed: int = 0):
    key = jax.random.key(seed)
    k1, k2, k3 = jax.random.split(key, 3)
    N, D = 16384, 64
    x = jax.random.normal(k1, (N, D), dtype=jnp.float32)
    w_ = jax.random.normal(k2, (N, D, NUM_BINS), dtype=jnp.float32)
    h_ = jax.random.normal(k3, (N, D, NUM_BINS + 1), dtype=jnp.float32)
    return {'x': x, 'w_': w_, 'h_': h_}

def reference(x, w_, h_):
    return _unconstrained_quadratic_spline(x, w_, h_, inverse=False)

if __name__ == "__main__":
    import jax
    _d = setup_inputs()
    print(jax.jit(kernel)(*tuple(_d.values())))

</pallas_src>

<mosaic_0001>
#map = affine_map<(d0, d1) -> (0, 0)>
#map1 = affine_map<(d0, d1) -> (0, 0, 0)>
module attributes {stable_mosaic.version = 14 : i64} {
  func.func @_qs_body(%arg0: i32, %arg1: i32, %arg2: memref<64x16384xf32, #tpu.memory_space<hbm>>, %arg3: memref<64x32x16384xf32, #tpu.memory_space<hbm>>, %arg4: memref<33x64x16384xf32, #tpu.memory_space<hbm>>, %arg5: memref<64x16384xf32, #tpu.memory_space<hbm>>, %arg6: memref<64x16384xf32, #tpu.memory_space<hbm>>, %arg7: memref<512xf32, #tpu.memory_space<vmem>>, %arg8: memref<32x512xf32, #tpu.memory_space<vmem>>, %arg9: memref<33x512xf32, #tpu.memory_space<vmem>>, %arg10: memref<512xf32, #tpu.memory_space<vmem>>, %arg11: memref<32x512xf32, #tpu.memory_space<vmem>>, %arg12: memref<33x512xf32, #tpu.memory_space<vmem>>, %arg13: memref<512xf32, #tpu.memory_space<vmem>>, %arg14: memref<512xf32, #tpu.memory_space<vmem>>, %arg15: memref<512xf32, #tpu.memory_space<vmem>>, %arg16: memref<528xf32, #tpu.memory_space<vmem>>, %arg17: memref<528xf32, #tpu.memory_space<vmem>>, %arg18: memref<528xf32, #tpu.memory_space<vmem>>, %arg19: memref<!tpu.dma_semaphore, #tpu.memory_space<semaphore_mem>>, %arg20: memref<!tpu.dma_semaphore, #tpu.memory_space<semaphore_mem>>) attributes {dimension_semantics = [#tpu.dimension_semantics<core_parallel>, #tpu.dimension_semantics<subcore_parallel>], iteration_bounds = array<i64: 2, 16>, scalar_prefetch = 0 : i64, scratch_operands = 14 : i64, tpu.core_type = #tpu.core_type<sc_vector_subcore>, window_params = [{transform_indices = #map}, {transform_indices = #map1}, {transform_indices = #map1}, {transform_indices = #map}, {transform_indices = #map}]} {
    %mul3A = arith.constant 2 : i32
    %mul3A_0 = arith.muli %arg1, %mul3A : i32
    %add3A = arith.addi %mul3A_0, %arg0 : i32
    %iota3A = tpu.iota {dimensions = array<i32: 0>} : vector<16xi32>
    %broadcast_in_dim3A = arith.constant 0.000000e+00 : f32
    %broadcast_in_dim3A_1 = vector.broadcast %broadcast_in_dim3A : f32 to vector<16xf32>
    %swap3A = arith.constant 0 : index
    %swap3A_2 = tpu.vector_load %arg17[%swap3A] {strides = array<i32>} : memref<528xf32, #tpu.memory_space<vmem>>, vector<16xf32>,
    tpu.vector_store %arg17[%swap3A], %broadcast_in_dim3A_1 {strides = array<i32>} : memref<528xf32, #tpu.memory_space<vmem>>, vector<16xf32>,
    %swap3A_3 = arith.constant 0 : index
    %swap3A_4 = tpu.vector_load %arg18[%swap3A_3] {strides = array<i32>} : memref<528xf32, #tpu.memory_space<vmem>>, vector<16xf32>,
    tpu.vector_store %arg18[%swap3A_3], %broadcast_in_dim3A_1 {strides = array<i32>} : memref<528xf32, #tpu.memory_space<vmem>>, vector<16xf32>,
    %mul3A_5 = arith.constant 2 : i32
    %mul3A_6 = arith.muli %add3A, %mul3A_5 : i32
    %add3A_7 = arith.constant 0 : i32
    %add3A_8 = arith.addi %mul3A_6, %add3A_7 : i32
    %dma_start3A = arith.constant 0 : i32
    %dma_start3A_9 = arith.constant 0 : i32
    %dma_start3A_10 = tpu.memref_slice %arg3[%add3A_8, %dma_start3A, %dma_start3A_9] : memref<64x32x16384xf32, #tpu.memory_space<hbm>> -> memref<1x32x512xf32, #tpu.memory_space<hbm>>
    %dma_start3A_11 = tpu.memref_squeeze %dma_start3A_10 : memref<1x32x512xf32, #tpu.memory_space<hbm>> -> memref<32x512xf32, #tpu.memory_space<hbm>>
    %dma_start3A_12 = arith.constant 0 : i32
    %dma_start3A_13 = arith.constant 0 : i32
    %dma_start3A_14 = tpu.memref_slice %arg3[%add3A_8, %dma_start3A_12, %dma_start3A_13] : memref<64x32x16384xf32, #tpu.memory_space<hbm>> -> memref<1x32x512xf32, #tpu.memory_space<hbm>>
    %dma_start3A_15 = tpu.memref_squeeze %dma_start3A_14 : memref<1x32x512xf32, #tpu.memory_space<hbm>> -> memref<32x512xf32, #tpu.memory_space<hbm>>
    tpu.enqueue_dma source(%dma_start3A_15 : memref<32x512xf32, #tpu.memory_space<hbm>>) target(%arg8 : memref<32x512xf32, #tpu.memory_space<vmem>>) target_semaphore(%arg19 : memref<!tpu.dma_semaphore, #tpu.memory_space<semaphore_mem>>)
    %dma_start3A_16 = arith.constant 0 : i32
    %dma_start3A_17 = arith.constant 0 : i32
    %dma_start3A_18 = tpu.memref_slice %arg4[%dma_start3A_16, %add3A_8, %dma_start3A_17] : memref<33x64x16384xf32, #tpu.memory_space<hbm>> -> memref<33x1x512xf32, #tpu.memory_space<hbm>>
    %dma_start3A_19 = tpu.memref_squeeze %dma_start3A_18 : memref<33x1x512xf32, #tpu.memory_space<hbm>> -> memref<33x512xf32, #tpu.memory_space<hbm>>
    %dma_start3A_20 = arith.constant 0 : i32
    %dma_start3A_21 = arith.constant 0 : i32
    %dma_start3A_22 = tpu.memref_slice %arg4[%dma_start3A_20, %add3A_8, %dma_start3A_21] : memref<33x64x16384xf32, #tpu.memory_space<hbm>> -> memref<33x1x512xf32, #tpu.memory_space<hbm>>
    %dma_start3A_23 = tpu.memref_squeeze %dma_start3A_22 : memref<33x1x512xf32, #tpu.memory_space<hbm>> -> memref<33x512xf32, #tpu.memory_space<hbm>>
    tpu.enqueue_dma source(%dma_start3A_23 : memref<33x512xf32, #tpu.memory_space<hbm>>) target(%arg9 : memref<33x512xf32, #tpu.memory_space<vmem>>) target_semaphore(%arg19 : memref<!tpu.dma_semaphore, #tpu.memory_space<semaphore_mem>>)
    %dma_start3A_24 = arith.constant 0 : i32
    %dma_start3A_25 = tpu.memref_slice %arg2[%add3A_8, %dma_start3A_24] : memref<64x16384xf32, #tpu.memory_space<hbm>> -> memref<1x512xf32, #tpu.memory_space<hbm>>
    %dma_start3A_26 = tpu.memref_squeeze %dma_start3A_25 : memref<1x512xf32, #tpu.memory_space<hbm>> -> memref<512xf32, #tpu.memory_space<hbm>>
    %dma_start3A_27 = arith.constant 0 : i32
    %dma_start3A_28 = tpu.memref_slice %arg2[%add3A_8, %dma_start3A_27] : memref<64x16384xf32, #tpu.memory_space<hbm>> -> memref<1x512xf32, #tpu.memory_space<hbm>>
    %dma_start3A_29 = tpu.memref_squeeze %dma_start3A_28 : memref<1x512xf32, #tpu.memory_space<hbm>> -> memref<512xf32, #tpu.memory_space<hbm>>
    tpu.enqueue_dma source(%dma_start3A_29 : memref<512xf32, #tpu.memory_space<hbm>>) target(%arg7 : memref<512xf32, #tpu.memory_space<vmem>>) target_semaphore(%arg19 : memref<!tpu.dma_semaphore, #tpu.memory_space<semaphore_mem>>)
    %scan3A = arith.constant 0 : i32
    %scan3A_30 = arith.constant 32 : i32
    %scan3A_31 = arith.addi %scan3A, %scan3A_30 : i32
    %scan3A_32 = arith.constant 1 : i32
    scf.for %scan3A_34 = %scan3A to %scan3A_31 step %scan3A_32  : i32 {
      %mul3A_35 = arith.constant 2 : i32
      %mul3A_36 = arith.muli %scan3A_34, %mul3A_35 : i32
      %add3A_37 = arith.constant 0 : i32
      %add3A_38 = arith.addi %add3A_37, %mul3A_36 : i32
      %add3A_39 = arith.constant 1 : i32
      %add3A_40 = arith.addi %add3A_38, %add3A_39 : i32
      %mul3A_41 = arith.constant 2 : i32
      %mul3A_42 = arith.muli %add3A, %mul3A_41 : i32
      %jit3A = arith.constant 32 : i32
      %div3A = arith.divsi %add3A_40, %jit3A : i32
      %sign3A = arith.constant 0 : i32
      %sign3A_43 = arith.cmpi sgt, %add3A_40, %sign3A : i32
      %sign3A_44 = arith.extui %sign3A_43 : i1 to i32
      %sign3A_45 = arith.constant 0 : i32
      %sign3A_46 = arith.cmpi slt, %add3A_40, %sign3A_45 : i32
      %sign3A_47 = arith.extui %sign3A_46 : i1 to i32
      %sign3A_48 = arith.subi %sign3A_44, %sign3A_47 : i32
      %sign3A_49 = arith.constant 0 : i32
      %sign3A_50 = arith.cmpi sgt, %jit3A, %sign3A_49 : i32
      %sign3A_51 = arith.extui %sign3A_50 : i1 to i32
      %sign3A_52 = arith.constant 0 : i32
      %sign3A_53 = arith.cmpi slt, %jit3A, %sign3A_52 : i32
      %sign3A_54 = arith.extui %sign3A_53 : i1 to i32
      %sign3A_55 = arith.subi %sign3A_51, %sign3A_54 : i32
      %ne3A = arith.cmpi ne, %sign3A_48, %sign3A_55 : i32
      %rem3A = arith.remsi %add3A_40, %jit3A : i32
      %ne3A_56 = arith.constant 0 : i32
      %ne3A_57 = arith.cmpi ne, %rem3A, %ne3A_56 : i32
      %and3A = arith.andi %ne3A, %ne3A_57 : i1
      %sub3A = arith.constant 1 : i32
      %sub3A_58 = arith.subi %div3A, %sub3A : i32
      %select_n3A = arith.select %and3A, %sub3A_58, %div3A : i32
      %add3A_59 = arith.addi %mul3A_42, %select_n3A : i32
      %jit3A_60 = arith.constant 32 : i32
      %eq3A = arith.constant 0 : i32
      %eq3A_61 = arith.cmpi eq, %jit3A_60, %eq3A : i32
      %jit3A_62 = arith.constant 1 : i32
      %select_n3A_63 = arith.select %eq3A_61, %jit3A_62, %jit3A_60 : i32
      %rem3A_64 = arith.remsi %add3A_40, %select_n3A_63 : i32
      %ne3A_65 = arith.constant 0 : i32
      %ne3A_66 = arith.cmpi ne, %rem3A_64, %ne3A_65 : i32
      %lt3A = arith.constant 0 : i32
      %lt3A_67 = arith.cmpi slt, %rem3A_64, %lt3A : i32
      %lt3A_68 = arith.constant 0 : i32
      %lt3A_69 = arith.cmpi slt, %select_n3A_63, %lt3A_68 : i32
      %ne3A_70 = arith.xori %lt3A_67, %lt3A_69 : i1
      %and3A_71 = arith.andi %ne3A_70, %ne3A_66 : i1
      %add3A_72 = arith.addi %rem3A_64, %select_n3A_63 : i32
      %select_n3A_73 = arith.select %and3A_71, %add3A_72, %rem3A_64 : i32
      %mul3A_74 = arith.constant 512 : i32
      %mul3A_75 = arith.muli %select_n3A_73, %mul3A_74 : i32
      %dma_start3A_76 = arith.constant 0 : i32
      %dma_start3A_77 = tpu.memref_slice %arg3[%add3A_59, %dma_start3A_76, %mul3A_75] : memref<64x32x16384xf32, #tpu.memory_space<hbm>> -> memref<1x32x512xf32, #tpu.memory_space<hbm>>
      %dma_start3A_78 = tpu.memref_squeeze %dma_start3A_77 : memref<1x32x512xf32, #tpu.memory_space<hbm>> -> memref<32x512xf32, #tpu.memory_space<hbm>>
      %dma_start3A_79 = arith.constant 0 : i32
      %dma_start3A_80 = tpu.memref_slice %arg3[%add3A_59, %dma_start3A_79, %mul3A_75] : memref<64x32x16384xf32, #tpu.memory_space<hbm>> -> memref<1x32x512xf32, #tpu.memory_space<hbm>>
      %dma_start3A_81 = tpu.memref_squeeze %dma_start3A_80 : memref<1x32x512xf32, #tpu.memory_space<hbm>> -> memref<32x512xf32, #tpu.memory_space<hbm>>
      tpu.enqueue_dma source(%dma_start3A_81 : memref<32x512xf32, #tpu.memory_space<hbm>>) target(%arg11 : memref<32x512xf32, #tpu.memory_space<vmem>>) target_semaphore(%arg20 : memref<!tpu.dma_semaphore, #tpu.memory_space<semaphore_mem>>)
      %dma_start3A_82 = arith.constant 0 : i32
      %dma_start3A_83 = tpu.memref_slice %arg4[%dma_start3A_82, %add3A_59, %mul3A_75] : memref<33x64x16384xf32, #tpu.memory_space<hbm>> -> memref<33x1x512xf32, #tpu.memory_space<hbm>>
      %dma_start3A_84 = tpu.memref_squeeze %dma_start3A_83 : memref<33x1x512xf32, #tpu.memory_space<hbm>> -> memref<33x512xf32, #tpu.memory_space<hbm>>
      %dma_start3A_85 = arith.constant 0 : i32
      %dma_start3A_86 = tpu.memref_slice %arg4[%dma_start3A_85, %add3A_59, %mul3A_75] : memref<33x64x16384xf32, #tpu.memory_space<hbm>> -> memref<33x1x512xf32, #tpu.memory_space<hbm>>
      %dma_start3A_87 = tpu.memref_squeeze %dma_start3A_86 : memref<33x1x512xf32, #tpu.memory_space<hbm>> -> memref<33x512xf32, #tpu.memory_space<hbm>>
      tpu.enqueue_dma source(%dma_start3A_87 : memref<33x512xf32, #tpu.memory_space<hbm>>) target(%arg12 : memref<33x512xf32, #tpu.memory_space<vmem>>) target_semaphore(%arg20 : memref<!tpu.dma_semaphore, #tpu.memory_space<semaphore_mem>>)
      %dma_start3A_88 = tpu.memref_slice %arg2[%add3A_59, %mul3A_75] : memref<64x16384xf32, #tpu.memory_space<hbm>> -> memref<1x512xf32, #tpu.memory_space<hbm>>
      %dma_start3A_89 = tpu.memref_squeeze %dma_start3A_88 : memref<1x512xf32, #tpu.memory_space<hbm>> -> memref<512xf32, #tpu.memory_space<hbm>>
      %dma_start3A_90 = tpu.memref_slice %arg2[%add3A_59, %mul3A_75] : memref<64x16384xf32, #tpu.memory_space<hbm>> -> memref<1x512xf32, #tpu.memory_space<hbm>>
      %dma_start3A_91 = tpu.memref_squeeze %dma_start3A_90 : memref<1x512xf32, #tpu.memory_space<hbm>> -> memref<512xf32, #tpu.memory_space<hbm>>
      tpu.enqueue_dma source(%dma_start3A_91 : memref<512xf32, #tpu.memory_space<hbm>>) target(%arg10 : memref<512xf32, #tpu.memory_space<vmem>>) target_semaphore(%arg20 : memref<!tpu.dma_semaphore, #tpu.memory_space<semaphore_mem>>)
      %mul3A_92 = arith.constant 2 : i32
      %mul3A_93 = arith.muli %add3A, %mul3A_92 : i32
      %jit3A_94 = arith.constant 32 : i32
      %div3A_95 = arith.divsi %add3A_38, %jit3A_94 : i32
      %sign3A_96 = arith.constant 0 : i32
      %sign3A_97 = arith.cmpi sgt, %add3A_38, %sign3A_96 : i32
      %sign3A_98 = arith.extui %sign3A_97 : i1 to i32
      %sign3A_99 = arith.constant 0 : i32
      %sign3A_100 = arith.cmpi slt, %add3A_38, %sign3A_99 : i32
      %sign3A_101 = arith.extui %sign3A_100 : i1 to i32
      %sign3A_102 = arith.subi %sign3A_98, %sign3A_101 : i32
      %sign3A_103 = arith.constant 0 : i32
      %sign3A_104 = arith.cmpi sgt, %jit3A_94, %sign3A_103 : i32
      %sign3A_105 = arith.extui %sign3A_104 : i1 to i32
      %sign3A_106 = arith.constant 0 : i32
      %sign3A_107 = arith.cmpi slt, %jit3A_94, %sign3A_106 : i32
      %sign3A_108 = arith.extui %sign3A_107 : i1 to i32
      %sign3A_109 = arith.subi %sign3A_105, %sign3A_108 : i32
      %ne3A_110 = arith.cmpi ne, %sign3A_102, %sign3A_109 : i32
      %rem3A_111 = arith.remsi %add3A_38, %jit3A_94 : i32
      %ne3A_112 = arith.constant 0 : i32
      %ne3A_113 = arith.cmpi ne, %rem3A_111, %ne3A_112 : i32
      %and3A_114 = arith.andi %ne3A_110, %ne3A_113 : i1
      %sub3A_115 = arith.constant 1 : i32
      %sub3A_116 = arith.subi %div3A_95, %sub3A_115 : i32
      %select_n3A_117 = arith.select %and3A_114, %sub3A_116, %div3A_95 : i32
      %add3A_118 = arith.addi %mul3A_93, %select_n3A_117 : i32
      %jit3A_119 = arith.constant 32 : i32
      %eq3A_120 = arith.constant 0 : i32
      %eq3A_121 = arith.cmpi eq, %jit3A_119, %eq3A_120 : i32
      %jit3A_122 = arith.constant 1 : i32
      %select_n3A_123 = arith.select %eq3A_121, %jit3A_122, %jit3A_119 : i32
      %rem3A_124 = arith.remsi %add3A_38, %select_n3A_123 : i32
      %ne3A_125 = arith.constant 0 : i32
      %ne3A_126 = arith.cmpi ne, %rem3A_124, %ne3A_125 : i32
      %lt3A_127 = arith.constant 0 : i32
      %lt3A_128 = arith.cmpi slt, %rem3A_124, %lt3A_127 : i32
      %lt3A_129 = arith.constant 0 : i32
      %lt3A_130 = arith.cmpi slt, %select_n3A_123, %lt3A_129 : i32
      %ne3A_131 = arith.xori %lt3A_128, %lt3A_130 : i1
      %and3A_132 = arith.andi %ne3A_131, %ne3A_126 : i1
      %add3A_133 = arith.addi %rem3A_124, %select_n3A_123 : i32
      %select_n3A_134 = arith.select %and3A_132, %add3A_133, %rem3A_124 : i32
      %mul3A_135 = arith.constant 512 : i32
      %mul3A_136 = arith.muli %select_n3A_134, %mul3A_135 : i32
      %dma_wait3A = arith.constant 0 : i32
      %dma_wait3A_137 = tpu.memref_slice %arg3[%add3A_118, %dma_wait3A, %mul3A_136] : memref<64x32x16384xf32, #tpu.memory_space<hbm>> -> memref<1x32x512xf32, #tpu.memory_space<hbm>>
      %dma_wait3A_138 = tpu.memref_squeeze %dma_wait3A_137 : memref<1x32x512xf32, #tpu.memory_space<hbm>> -> memref<32x512xf32, #tpu.memory_space<hbm>>
      %dma_wait3A_139 = arith.constant 0 : i32
      %dma_wait3A_140 = tpu.memref_slice %arg3[%add3A_118, %dma_wait3A_139, %mul3A_136] : memref<64x32x16384xf32, #tpu.memory_space<hbm>> -> memref<1x32x512xf32, #tpu.memory_space<hbm>>
      %dma_wait3A_141 = tpu.memref_squeeze %dma_wait3A_140 : memref<1x32x512xf32, #tpu.memory_space<hbm>> -> memref<32x512xf32, #tpu.memory_space<hbm>>
      tpu.wait_dma2 semaphore(%arg19 : memref<!tpu.dma_semaphore, #tpu.memory_space<semaphore_mem>>) src(%dma_wait3A_141 : memref<32x512xf32, #tpu.memory_space<hbm>>) dst(%arg8 : memref<32x512xf32, #tpu.memory_space<vmem>>)
      %dma_wait3A_142 = arith.constant 0 : i32
      %dma_wait3A_143 = tpu.memref_slice %arg4[%dma_wait3A_142, %add3A_118, %mul3A_136] : memref<33x64x16384xf32, #tpu.memory_space<hbm>> -> memref<33x1x512xf32, #tpu.memory_space<hbm>>
      %dma_wait3A_144 = tpu.memref_squeeze %dma_wait3A_143 : memref<33x1x512xf32, #tpu.memory_space<hbm>> -> memref<33x512xf32, #tpu.memory_space<hbm>>
      %dma_wait3A_145 = arith.constant 0 : i32
      %dma_wait3A_146 = tpu.memref_slice %arg4[%dma_wait3A_145, %add3A_118, %mul3A_136] : memref<33x64x16384xf32, #tpu.memory_space<hbm>> -> memref<33x1x512xf32, #tpu.memory_space<hbm>>
      %dma_wait3A_147 = tpu.memref_squeeze %dma_wait3A_146 : memref<33x1x512xf32, #tpu.memory_space<hbm>> -> memref<33x512xf32, #tpu.memory_space<hbm>>
      tpu.wait_dma2 semaphore(%arg19 : memref<!tpu.dma_semaphore, #tpu.memory_space<semaphore_mem>>) src(%dma_wait3A_147 : memref<33x512xf32, #tpu.memory_space<hbm>>) dst(%arg9 : memref<33x512xf32, #tpu.memory_space<vmem>>)
      %dma_wait3A_148 = tpu.memref_slice %arg2[%add3A_118, %mul3A_136] : memref<64x16384xf32, #tpu.memory_space<hbm>> -> memref<1x512xf32, #tpu.memory_space<hbm>>
      %dma_wait3A_149 = tpu.memref_squeeze %dma_wait3A_148 : memref<1x512xf32, #tpu.memory_space<hbm>> -> memref<512xf32, #tpu.memory_space<hbm>>
      %dma_wait3A_150 = tpu.memref_slice %arg2[%add3A_118, %mul3A_136] : memref<64x16384xf32, #tpu.memory_space<hbm>> -> memref<1x512xf32, #tpu.memory_space<hbm>>
      %dma_wait3A_151 = tpu.memref_squeeze %dma_wait3A_150 : memref<1x512xf32, #tpu.memory_space<hbm>> -> memref<512xf32, #tpu.memory_space<hbm>>
      tpu.wait_dma2 semaphore(%arg19 : memref<!tpu.dma_semaphore, #tpu.memory_space<semaphore_mem>>) src(%dma_wait3A_151 : memref<512xf32, #tpu.memory_space<hbm>>) dst(%arg7 : memref<512xf32, #tpu.memory_space<vmem>>)
      %mul3A_152 = arith.constant 2 : i32
      %mul3A_153 = arith.muli %add3A, %mul3A_152 : i32
      %jit3A_154 = arith.constant 32 : i32
      %div3A_155 = arith.divsi %add3A_38, %jit3A_154 : i32
      %sign3A_156 = arith.constant 0 : i32
      %sign3A_157 = arith.cmpi sgt, %add3A_38, %sign3A_156 : i32
      %sign3A_158 = arith.extui %sign3A_157 : i1 to i32
      %sign3A_159 = arith.constant 0 : i32
      %sign3A_160 = arith.cmpi slt, %add3A_38, %sign3A_159 : i32
      %sign3A_161 = arith.extui %sign3A_160 : i1 to i32
      %sign3A_162 = arith.subi %sign3A_158, %sign3A_161 : i32
      %sign3A_163 = arith.constant 0 : i32
      %sign3A_164 = arith.cmpi sgt, %jit3A_154, %sign3A_163 : i32
      %sign3A_165 = arith.extui %sign3A_164 : i1 to i32
      %sign3A_166 = arith.constant 0 : i32
      %sign3A_167 = arith.cmpi slt, %jit3A_154, %sign3A_166 : i32
      %sign3A_168 = arith.extui %sign3A_167 : i1 to i32
      %sign3A_169 = arith.subi %sign3A_165, %sign3A_168 : i32
      %ne3A_170 = arith.cmpi ne, %sign3A_162, %sign3A_169 : i32
      %rem3A_171 = arith.remsi %add3A_38, %jit3A_154 : i32
      %ne3A_172 = arith.constant 0 : i32
      %ne3A_173 = arith.cmpi ne, %rem3A_171, %ne3A_172 : i32
      %and3A_174 = arith.andi %ne3A_170, %ne3A_173 : i1
      %sub3A_175 = arith.constant 1 : i32
      %sub3A_176 = arith.subi %div3A_155, %sub3A_175 : i32
      %select_n3A_177 = arith.select %and3A_174, %sub3A_176, %div3A_155 : i32
      %add3A_178 = arith.addi %mul3A_153, %select_n3A_177 : i32
      %jit3A_179 = arith.constant 32 : i32
      %eq3A_180 = arith.constant 0 : i32
      %eq3A_181 = arith.cmpi eq, %jit3A_179, %eq3A_180 : i32
      %jit3A_182 = arith.constant 1 : i32
      %select_n3A_183 = arith.select %eq3A_181, %jit3A_182, %jit3A_179 : i32
      %rem3A_184 = arith.remsi %add3A_38, %select_n3A_183 : i32
      %ne3A_185 = arith.constant 0 : i32
      %ne3A_186 = arith.cmpi ne, %rem3A_184, %ne3A_185 : i32
      %lt3A_187 = arith.constant 0 : i32
      %lt3A_188 = arith.cmpi slt, %rem3A_184, %lt3A_187 : i32
      %lt3A_189 = arith.constant 0 : i32
      %lt3A_190 = arith.cmpi slt, %select_n3A_183, %lt3A_189 : i32
      %ne3A_191 = arith.xori %lt3A_188, %lt3A_190 : i1
      %and3A_192 = arith.andi %ne3A_191, %ne3A_186 : i1
      %add3A_193 = arith.addi %rem3A_184, %select_n3A_183 : i32
      %select_n3A_194 = arith.select %and3A_192, %add3A_193, %rem3A_184 : i32
      %mul3A_195 = arith.constant 512 : i32
      %mul3A_196 = arith.muli %select_n3A_194, %mul3A_195 : i32
      %scan3A_197 = arith.constant 0 : i32
      %scan3A_198 = arith.constant 32 : i32
      %scan3A_199 = arith.addi %scan3A_197, %scan3A_198 : i32
      %scan3A_200 = arith.constant 1 : i32
      scf.for %scan3A_322 = %scan3A_197 to %scan3A_199 step %scan3A_200  : i32 {
        %mul3A_323 = arith.constant 1 : i32
        %mul3A_324 = arith.muli %scan3A_322, %mul3A_323 : i32
        %add3A_325 = arith.constant 0 : i32
        %add3A_326 = arith.addi %add3A_325, %mul3A_324 : i32
        %mul3A_327 = arith.constant 16 : i32
        %mul3A_328 = arith.muli %add3A_326, %mul3A_327 : i32
        %get3A = arith.index_cast %mul3A_328 : i32 to index
        %get3A_329 = tpu.vector_load %arg7[%get3A] {strides = array<i32>} : memref<512xf32, #tpu.memory_space<vmem>>, vector<16xf32>,
        %jit3A_330 = arith.constant -3.000000e+00 : f32
        %jit3A_331 = arith.constant 3.000000e+00 : f32
        %max3A = vector.broadcast %jit3A_330 : f32 to vector<16xf32>
        %max3A_332 = arith.maximumf %max3A, %get3A_329 : vector<16xf32>
        %min3A = vector.broadcast %jit3A_331 : f32 to vector<16xf32>
        %min3A_333 = arith.minimumf %min3A, %max3A_332 : vector<16xf32>
        %add3A_334 = arith.constant 3.000000e+00 : f32
        %add3A_335 = vector.broadcast %add3A_334 : f32 to vector<16xf32>
        %add3A_336 = arith.addf %min3A_333, %add3A_335 : vector<16xf32>
        %mul3A_337 = arith.constant 0.166666672 : f32
        %mul3A_338 = vector.broadcast %mul3A_337 : f32 to vector<16xf32>
        %mul3A_339 = arith.mulf %add3A_336, %mul3A_338 : vector<16xf32>
        %parallel_loop3A = arith.constant 0 : i32
        %parallel_loop3A_340 = arith.constant 32 : i32
        %parallel_loop3A_341 = arith.constant 1 : i32
        %parallel_loop3A_342 = scf.for %parallel_loop3A_482 = %parallel_loop3A to %parallel_loop3A_340 step %parallel_loop3A_341 iter_args(%parallel_loop3A_483 = %broadcast_in_dim3A_1) -> (vector<16xf32>)  : i32 {
          %parallel_loop3A_484 = arith.index_cast %parallel_loop3A_482 : i32 to index
          %parallel_loop3A_485 = arith.index_cast %mul3A_328 : i32 to index
          %parallel_loop3A_486 = tpu.vector_load %arg8[%parallel_loop3A_484, %parallel_loop3A_485] {strides = array<i32>} : memref<32x512xf32, #tpu.memory_space<vmem>>, vector<16xf32>,
          %parallel_loop3A_487 = math.exp %parallel_loop3A_486 : vector<16xf32>
          %parallel_loop3A_488 = arith.constant 16 : i32
          %parallel_loop3A_489 = arith.muli %parallel_loop3A_482, %parallel_loop3A_488 : i32
          %parallel_loop3A_490 = arith.index_cast %parallel_loop3A_489 : i32 to index
          %parallel_loop3A_491 = tpu.vector_load %arg15[%parallel_loop3A_490] {strides = array<i32>} : memref<512xf32, #tpu.memory_space<vmem>>, vector<16xf32>,
          tpu.vector_store %arg15[%parallel_loop3A_490], %parallel_loop3A_487 {strides = array<i32>} : memref<512xf32, #tpu.memory_space<vmem>>, vector<16xf32>,
          %parallel_loop3A_492 = arith.addf %parallel_loop3A_483, %parallel_loop3A_487 : vector<16xf32>
          scf.yield %parallel_loop3A_492 : vector<16xf32>
        } {sc.loop_unroll_factor = 8 : i64, sc.parallel_access}
        %div3A_343 = arith.constant 0.967999994 : f32
        %div3A_344 = vector.broadcast %div3A_343 : f32 to vector<16xf32>
        %div3A_345 = arith.divf %div3A_344, %parallel_loop3A_342 : vector<16xf32>
        %get3A_346 = arith.constant 0 : i32
        %get3A_347 = arith.index_cast %get3A_346 : i32 to index
        %get3A_348 = arith.index_cast %mul3A_328 : i32 to index
        %get3A_349 = tpu.vector_load %arg9[%get3A_347, %get3A_348] {strides = array<i32>} : memref<33x512xf32, #tpu.memory_space<vmem>>, vector<16xf32>,
        %exp3A = math.exp %get3A_349 : vector<16xf32>
        %swap3A_350 = arith.constant 0 : index
        %swap3A_351 = tpu.vector_load %arg16[%swap3A_350] {strides = array<i32>} : memref<528xf32, #tpu.memory_space<vmem>>, vector<16xf32>,
        tpu.vector_store %arg16[%swap3A_350], %exp3A {strides = array<i32>} : memref<528xf32, #tpu.memory_space<vmem>>, vector<16xf32>,
        %mul3A_352 = arith.constant 0 : i32
        %mul3A_353 = vector.broadcast %mul3A_352 : i32 to vector<16xi32>
        %mul3A_354 = arith.muli %iota3A, %mul3A_353 : vector<16xi32>
        %parallel_loop3A_355 = arith.constant 1 : i32
        %parallel_loop3A_356 = arith.constant 33 : i32
        %parallel_loop3A_357 = arith.constant 1 : i32
        %parallel_loop3A_358:4 = scf.for %parallel_loop3A_482 = %parallel_loop3A_355 to %parallel_loop3A_356 step %parallel_loop3A_357 iter_args(%parallel_loop3A_483 = %broadcast_in_dim3A_1, %parallel_loop3A_484 = %broadcast_in_dim3A_1, %parallel_loop3A_485 = %mul3A_354, %parallel_loop3A_486 = %exp3A) -> (vector<16xf32>, vector<16xf32>, vector<16xi32>, vector<16xf32>)  : i32 {
          %parallel_loop3A_487 = arith.index_cast %parallel_loop3A_482 : i32 to index
          %parallel_loop3A_488 = arith.index_cast %mul3A_328 : i32 to index
          %parallel_loop3A_489 = tpu.vector_load %arg9[%parallel_loop3A_487, %parallel_loop3A_488] {strides = array<i32>} : memref<33x512xf32, #tpu.memory_space<vmem>>, vector<16xf32>,
          %parallel_loop3A_490 = math.exp %parallel_loop3A_489 : vector<16xf32>
          %parallel_loop3A_491 = arith.constant 16 : i32
          %parallel_loop3A_492 = arith.muli %parallel_loop3A_482, %parallel_loop3A_491 : i32
          %parallel_loop3A_493 = arith.index_cast %parallel_loop3A_492 : i32 to index
          %parallel_loop3A_494 = tpu.vector_load %arg16[%parallel_loop3A_493] {strides = array<i32>} : memref<528xf32, #tpu.memory_space<vmem>>, vector<16xf32>,
          tpu.vector_store %arg16[%parallel_loop3A_493], %parallel_loop3A_490 {strides = array<i32>} : memref<528xf32, #tpu.memory_space<vmem>>, vector<16xf32>,
          %parallel_loop3A_495 = arith.constant 16 : i32
          %parallel_loop3A_496 = arith.muli %parallel_loop3A_482, %parallel_loop3A_495 : i32
          %parallel_loop3A_497 = arith.constant 16 : i32
          %parallel_loop3A_498 = arith.subi %parallel_loop3A_496, %parallel_loop3A_497 : i32
          %parallel_loop3A_499 = arith.index_cast %parallel_loop3A_498 : i32 to index
          %parallel_loop3A_500 = tpu.vector_load %arg15[%parallel_loop3A_499] {strides = array<i32>} : memref<512xf32, #tpu.memory_space<vmem>>, vector<16xf32>,
          %parallel_loop3A_501 = arith.mulf %div3A_345, %parallel_loop3A_500 : vector<16xf32>
          %parallel_loop3A_502 = arith.constant 1.000000e-03 : f32
          %parallel_loop3A_503 = vector.broadcast %parallel_loop3A_502 : f32 to vector<16xf32>
          %parallel_loop3A_504 = arith.addf %parallel_loop3A_503, %parallel_loop3A_501 : vector<16xf32>
          %parallel_loop3A_505 = arith.addf %parallel_loop3A_483, %parallel_loop3A_504 : vector<16xf32>
          %parallel_loop3A_506 = arith.constant 16 : i32
          %parallel_loop3A_507 = arith.muli %parallel_loop3A_482, %parallel_loop3A_506 : i32
          %parallel_loop3A_508 = arith.index_cast %parallel_loop3A_507 : i32 to index
          %parallel_loop3A_509 = tpu.vector_load %arg17[%parallel_loop3A_508] {strides = array<i32>} : memref<528xf32, #tpu.memory_space<vmem>>, vector<16xf32>,
          tpu.vector_store %arg17[%parallel_loop3A_508], %parallel_loop3A_505 {strides = array<i32>} : memref<528xf32, #tpu.memory_space<vmem>>, vector<16xf32>,
          %parallel_loop3A_510 = arith.addf %parallel_loop3A_486, %parallel_loop3A_490 : vector<16xf32>
          %parallel_loop3A_511 = arith.mulf %parallel_loop3A_510, %parallel_loop3A_504 : vector<16xf32>
          %parallel_loop3A_512 = arith.addf %parallel_loop3A_484, %parallel_loop3A_511 : vector<16xf32>
          %parallel_loop3A_513 = arith.constant 16 : i32
          %parallel_loop3A_514 = arith.muli %parallel_loop3A_482, %parallel_loop3A_513 : i32
          %parallel_loop3A_515 = arith.index_cast %parallel_loop3A_514 : i32 to index
          %parallel_loop3A_516 = tpu.vector_load %arg18[%parallel_loop3A_515] {strides = array<i32>} : memref<528xf32, #tpu.memory_space<vmem>>, vector<16xf32>,
          tpu.vector_store %arg18[%parallel_loop3A_515], %parallel_loop3A_512 {strides = array<i32>} : memref<528xf32, #tpu.memory_space<vmem>>, vector<16xf32>,
          %parallel_loop3A_517 = arith.cmpf oge, %mul3A_339, %parallel_loop3A_505 : vector<16xf32>
          %parallel_loop3A_518 = arith.constant 32 : i32
          %parallel_loop3A_519 = arith.cmpi slt, %parallel_loop3A_482, %parallel_loop3A_518 : i32
          %parallel_loop3A_520 = vector.broadcast %parallel_loop3A_519 : i1 to vector<16xi1>
          %parallel_loop3A_521 = arith.andi %parallel_loop3A_517, %parallel_loop3A_520 : vector<16xi1>
          %parallel_loop3A_522 = arith.constant 1 : i32
          %parallel_loop3A_523 = arith.constant 0 : i32
          %parallel_loop3A_524 = vector.broadcast %parallel_loop3A_522 : i32 to vector<16xi32>
          %parallel_loop3A_525 = vector.broadcast %parallel_loop3A_523 : i32 to vector<16xi32>
          %parallel_loop3A_526 = arith.select %parallel_loop3A_521, %parallel_loop3A_524, %parallel_loop3A_525 : vector<16xi1>, vector<16xi32>
          %parallel_loop3A_527 = arith.addi %parallel_loop3A_485, %parallel_loop3A_526 : vector<16xi32>
          scf.yield %parallel_loop3A_505, %parallel_loop3A_512, %parallel_loop3A_527, %parallel_loop3A_490 : vector<16xf32>, vector<16xf32>, vector<16xi32>, vector<16xf32>
        } {sc.loop_unroll_factor = 16 : i64, sc.parallel_access}
        %div3A_359 = arith.constant 9.990000e-01 : f32
        %div3A_360 = vector.broadcast %div3A_359 : f32 to vector<16xf32>
        %div3A_361 = arith.divf %div3A_360, %parallel_loop3A_358#1 : vector<16xf32>
        %mul3A_362 = arith.constant 16 : i32
        %mul3A_363 = vector.broadcast %mul3A_362 : i32 to vector<16xi32>
        %mul3A_364 = arith.muli %parallel_loop3A_358#2, %mul3A_363 : vector<16xi32>
        %add3A_365 = arith.addi %mul3A_364, %iota3A : vector<16xi32>
        %gather3A = tpu.vector_load_idx %arg17[%add3A_365] : memref<528xf32, #tpu.memory_space<vmem>>[vector<16xi32>], vector<16xf32>,
        %gather3A_366 = tpu.vector_load_idx %arg18[%add3A_365] : memref<528xf32, #tpu.memory_space<vmem>>[vector<16xi32>], vector<16xf32>,
        %gather3A_367 = tpu.vector_load_idx %arg15[%add3A_365] : memref<512xf32, #tpu.memory_space<vmem>>[vector<16xi32>], vector<16xf32>,
        %mul3A_368 = arith.mulf %div3A_345, %gather3A_367 : vector<16xf32>
        %add3A_369 = arith.constant 1.000000e-03 : f32
        %add3A_370 = vector.broadcast %add3A_369 : f32 to vector<16xf32>
        %add3A_371 = arith.addf %add3A_370, %mul3A_368 : vector<16xf32>
        %gather3A_372 = tpu.vector_load_idx %arg16[%add3A_365] : memref<528xf32, #tpu.memory_space<vmem>>[vector<16xi32>], vector<16xf32>,
        %mul3A_373 = arith.mulf %div3A_361, %gather3A_372 : vector<16xf32>
        %add3A_374 = arith.constant 5.000000e-04 : f32
        %add3A_375 = vector.broadcast %add3A_374 : f32 to vector<16xf32>
        %add3A_376 = arith.addf %add3A_375, %mul3A_373 : vector<16xf32>
        %add3A_377 = arith.constant 16 : i32
        %add3A_378 = vector.broadcast %add3A_377 : i32 to vector<16xi32>
        %add3A_379 = arith.addi %add3A_365, %add3A_378 : vector<16xi32>
        %gather3A_380 = tpu.vector_load_idx %arg16[%add3A_379] : memref<528xf32, #tpu.memory_space<vmem>>[vector<16xi32>], vector<16xf32>,
        %mul3A_381 = arith.mulf %div3A_361, %gather3A_380 : vector<16xf32>
        %add3A_382 = arith.constant 5.000000e-04 : f32
        %add3A_383 = vector.broadcast %add3A_382 : f32 to vector<16xf32>
        %add3A_384 = arith.addf %add3A_383, %mul3A_381 : vector<16xf32>
        %mul3A_385 = arith.constant 1.000000e-03 : f32
        %mul3A_386 = vector.broadcast %mul3A_385 : f32 to vector<16xf32>
        %mul3A_387 = arith.mulf %mul3A_386, %gather3A : vector<16xf32>
        %mul3A_388 = arith.mulf %div3A_361, %gather3A_366 : vector<16xf32>
        %add3A_389 = arith.addf %mul3A_387, %mul3A_388 : vector<16xf32>
        %sub3A_390 = arith.subf %mul3A_339, %gather3A : vector<16xf32>
        %div3A_391 = arith.divf %sub3A_390, %add3A_371 : vector<16xf32>
        %sub3A_392 = arith.subf %add3A_384, %add3A_376 : vector<16xf32>
        %mul3A_393 = arith.mulf %add3A_371, %div3A_391 : vector<16xf32>
        %mul3A_394 = arith.mulf %sub3A_392, %div3A_391 : vector<16xf32>
        %mul3A_395 = arith.constant 2.000000e+00 : f32
        %mul3A_396 = vector.broadcast %mul3A_395 : f32 to vector<16xf32>
        %mul3A_397 = arith.mulf %mul3A_396, %add3A_376 : vector<16xf32>
        %add3A_398 = arith.addf %mul3A_394, %mul3A_397 : vector<16xf32>
        %mul3A_399 = arith.mulf %mul3A_393, %add3A_398 : vector<16xf32>
        %add3A_400 = arith.addf %mul3A_399, %add3A_389 : vector<16xf32>
        %jit3A_401 = arith.constant 0.000000e+00 : f32
        %jit3A_402 = arith.constant 1.000000e+00 : f32
        %max3A_403 = vector.broadcast %jit3A_401 : f32 to vector<16xf32>
        %max3A_404 = arith.maximumf %max3A_403, %add3A_400 : vector<16xf32>
        %min3A_405 = vector.broadcast %jit3A_402 : f32 to vector<16xf32>
        %min3A_406 = arith.minimumf %min3A_405, %max3A_404 : vector<16xf32>
        %mul3A_407 = arith.constant 6.000000e+00 : f32
        %mul3A_408 = vector.broadcast %mul3A_407 : f32 to vector<16xf32>
        %mul3A_409 = arith.mulf %min3A_406, %mul3A_408 : vector<16xf32>
        %sub3A_410 = arith.constant 3.000000e+00 : f32
        %sub3A_411 = vector.broadcast %sub3A_410 : f32 to vector<16xf32>
        %sub3A_412 = arith.subf %mul3A_409, %sub3A_411 : vector<16xf32>
        %mul3A_413 = arith.mulf %div3A_391, %sub3A_392 : vector<16xf32>
        %add3A_414 = arith.addf %mul3A_413, %add3A_376 : vector<16xf32>
        %mul3A_415 = arith.constant 2.000000e+00 : f32
        %mul3A_416 = vector.broadcast %mul3A_415 : f32 to vector<16xf32>
        %mul3A_417 = arith.mulf %mul3A_416, %add3A_414 : vector<16xf32>
        %bitcast_convert_type3A = tpu.bitcast %mul3A_417 : vector<16xf32> -> vector<16xi32>
        %shift_right_logical3A = arith.constant 23 : i32
        %shift_right_logical3A_418 = vector.broadcast %shift_right_logical3A : i32 to vector<16xi32>
        %shift_right_logical3A_419 = arith.shrui %bitcast_convert_type3A, %shift_right_logical3A_418 : vector<16xi32>
        %sub3A_420 = arith.constant 127 : i32
        %sub3A_421 = vector.broadcast %sub3A_420 : i32 to vector<16xi32>
        %sub3A_422 = arith.subi %shift_right_logical3A_419, %sub3A_421 : vector<16xi32>
        %and3A_423 = arith.constant 8388607 : i32
        %and3A_424 = vector.broadcast %and3A_423 : i32 to vector<16xi32>
        %and3A_425 = arith.andi %bitcast_convert_type3A, %and3A_424 : vector<16xi32>
        %or3A = arith.constant 1065353216 : i32
        %or3A_426 = vector.broadcast %or3A : i32 to vector<16xi32>
        %or3A_427 = arith.ori %and3A_425, %or3A_426 : vector<16xi32>
        %bitcast_convert_type3A_428 = tpu.bitcast %or3A_427 : vector<16xi32> -> vector<16xf32>
        %gt3A = arith.constant 1.41421354 : f32
        %gt3A_429 = vector.broadcast %gt3A : f32 to vector<16xf32>
        %gt3A_430 = arith.cmpf ogt, %bitcast_convert_type3A_428, %gt3A_429 : vector<16xf32>
        %mul3A_431 = arith.constant 5.000000e-01 : f32
        %mul3A_432 = vector.broadcast %mul3A_431 : f32 to vector<16xf32>
        %mul3A_433 = arith.mulf %bitcast_convert_type3A_428, %mul3A_432 : vector<16xf32>
        %select_n3A_434 = arith.select %gt3A_430, %mul3A_433, %bitcast_convert_type3A_428 : vector<16xi1>, vector<16xf32>
        %convert_element_type3A_435 = arith.sitofp %sub3A_422 : vector<16xi32> to vector<16xf32>
        %jit3A_436 = arith.constant 1.000000e+00 : f32
        %jit3A_437 = arith.constant 0.000000e+00 : f32
        %broadcast_in_dim3A_438 = vector.broadcast %jit3A_436 : f32 to vector<16xf32>
        %broadcast_in_dim3A_439 = vector.broadcast %jit3A_437 : f32 to vector<16xf32>
        %select_n3A_440 = arith.select %gt3A_430, %broadcast_in_dim3A_438, %broadcast_in_dim3A_439 : vector<16xi1>, vector<16xf32>
        %add3A_441 = arith.addf %convert_element_type3A_435, %select_n3A_440 : vector<16xf32>
        %sub3A_442 = arith.constant 1.000000e+00 : f32
        %sub3A_443 = vector.broadcast %sub3A_442 : f32 to vector<16xf32>
        %sub3A_444 = arith.subf %select_n3A_434, %sub3A_443 : vector<16xf32>
        %add3A_445 = arith.constant 1.000000e+00 : f32
        %add3A_446 = vector.broadcast %add3A_445 : f32 to vector<16xf32>
        %add3A_447 = arith.addf %select_n3A_434, %add3A_446 : vector<16xf32>
        %div3A_448 = arith.divf %sub3A_444, %add3A_447 : vector<16xf32>
        %mul3A_449 = arith.mulf %div3A_448, %div3A_448 : vector<16xf32>
        %mul3A_450 = arith.constant 0.285714298 : f32
        %mul3A_451 = vector.broadcast %mul3A_450 : f32 to vector<16xf32>
        %mul3A_452 = arith.mulf %mul3A_449, %mul3A_451 : vector<16xf32>
        %add3A_453 = arith.constant 4.000000e-01 : f32
        %add3A_454 = vector.broadcast %add3A_453 : f32 to vector<16xf32>
        %add3A_455 = arith.addf %add3A_454, %mul3A_452 : vector<16xf32>
        %mul3A_456 = arith.mulf %mul3A_449, %add3A_455 : vector<16xf32>
        %add3A_457 = arith.constant 0.666666686 : f32
        %add3A_458 = vector.broadcast %add3A_457 : f32 to vector<16xf32>
        %add3A_459 = arith.addf %add3A_458, %mul3A_456 : vector<16xf32>
        %mul3A_460 = arith.mulf %mul3A_449, %add3A_459 : vector<16xf32>
        %add3A_461 = arith.constant 2.000000e+00 : f32
        %add3A_462 = vector.broadcast %add3A_461 : f32 to vector<16xf32>
        %add3A_463 = arith.addf %add3A_462, %mul3A_460 : vector<16xf32>
        %mul3A_464 = arith.constant 0.693147182 : f32
        %mul3A_465 = vector.broadcast %mul3A_464 : f32 to vector<16xf32>
        %mul3A_466 = arith.mulf %add3A_441, %mul3A_465 : vector<16xf32>
        %mul3A_467 = arith.mulf %div3A_448, %add3A_463 : vector<16xf32>
        %add3A_468 = arith.addf %mul3A_466, %mul3A_467 : vector<16xf32>
        %ge3A = arith.constant -3.000000e+00 : f32
        %ge3A_469 = vector.broadcast %ge3A : f32 to vector<16xf32>
        %ge3A_470 = arith.cmpf oge, %get3A_329, %ge3A_469 : vector<16xf32>
        %le3A = arith.constant 3.000000e+00 : f32
        %le3A_471 = vector.broadcast %le3A : f32 to vector<16xf32>
        %le3A_472 = arith.cmpf ole, %get3A_329, %le3A_471 : vector<16xf32>
        %and3A_473 = arith.andi %ge3A_470, %le3A_472 : vector<16xi1>
        %select_n3A_474 = arith.select %and3A_473, %sub3A_412, %get3A_329 : vector<16xi1>, vector<16xf32>
        %swap3A_475 = arith.index_cast %mul3A_328 : i32 to index
        %swap3A_476 = tpu.vector_load %arg13[%swap3A_475] {strides = array<i32>} : memref<512xf32, #tpu.memory_space<vmem>>, vector<16xf32>,
        tpu.vector_store %arg13[%swap3A_475], %select_n3A_474 {strides = array<i32>} : memref<512xf32, #tpu.memory_space<vmem>>, vector<16xf32>,
        %jit3A_477 = arith.constant 0.000000e+00 : f32
        %broadcast_in_dim3A_478 = vector.broadcast %jit3A_477 : f32 to vector<16xf32>
        %select_n3A_479 = arith.select %and3A_473, %add3A_468, %broadcast_in_dim3A_478 : vector<16xi1>, vector<16xf32>
        %swap3A_480 = arith.index_cast %mul3A_328 : i32 to index
        %swap3A_481 = tpu.vector_load %arg14[%swap3A_480] {strides = array<i32>} : memref<512xf32, #tpu.memory_space<vmem>>, vector<16xf32>,
        tpu.vector_store %arg14[%swap3A_480], %select_n3A_479 {strides = array<i32>} : memref<512xf32, #tpu.memory_space<vmem>>, vector<16xf32>,
      }
      %scan3A_201 = arith.constant 32 : i32
      "tpu.region"() ({
        %run_scoped3A = tpu.sem_alloc : memref<!tpu.dma_semaphore, #tpu.memory_space<semaphore_mem>>
        %dma_start3A_322 = tpu.memref_slice %arg5[%add3A_178, %mul3A_196] : memref<64x16384xf32, #tpu.memory_space<hbm>> -> memref<1x512xf32, #tpu.memory_space<hbm>>
        %dma_start3A_323 = tpu.memref_squeeze %dma_start3A_322 : memref<1x512xf32, #tpu.memory_space<hbm>> -> memref<512xf32, #tpu.memory_space<hbm>>
        %dma_start3A_324 = tpu.memref_slice %arg5[%add3A_178, %mul3A_196] : memref<64x16384xf32, #tpu.memory_space<hbm>> -> memref<1x512xf32, #tpu.memory_space<hbm>>
        %dma_start3A_325 = tpu.memref_squeeze %dma_start3A_324 : memref<1x512xf32, #tpu.memory_space<hbm>> -> memref<512xf32, #tpu.memory_space<hbm>>
        tpu.enqueue_dma source(%arg13 : memref<512xf32, #tpu.memory_space<vmem>>) target(%dma_start3A_325 : memref<512xf32, #tpu.memory_space<hbm>>) target_semaphore(%run_scoped3A : memref<!tpu.dma_semaphore, #tpu.memory_space<semaphore_mem>>)
        %dma_wait3A_326 = tpu.memref_slice %arg5[%add3A_178, %mul3A_196] : memref<64x16384xf32, #tpu.memory_space<hbm>> -> memref<1x512xf32, #tpu.memory_space<hbm>>
        %dma_wait3A_327 = tpu.memref_squeeze %dma_wait3A_326 : memref<1x512xf32, #tpu.memory_space<hbm>> -> memref<512xf32, #tpu.memory_space<hbm>>
        %dma_wait3A_328 = tpu.memref_slice %arg5[%add3A_178, %mul3A_196] : memref<64x16384xf32, #tpu.memory_space<hbm>> -> memref<1x512xf32, #tpu.memory_space<hbm>>
        %dma_wait3A_329 = tpu.memref_squeeze %dma_wait3A_328 : memref<1x512xf32, #tpu.memory_space<hbm>> -> memref<512xf32, #tpu.memory_space<hbm>>
        tpu.wait_dma2 semaphore(%run_scoped3A : memref<!tpu.dma_semaphore, #tpu.memory_space<semaphore_mem>>) src(%arg13 : memref<512xf32, #tpu.memory_space<vmem>>) dst(%dma_wait3A_329 : memref<512xf32, #tpu.memory_space<hbm>>)
        tpu.yield
      }) : () -> ()
      "tpu.region"() ({
        %run_scoped3A = tpu.sem_alloc : memref<!tpu.dma_semaphore, #tpu.memory_space<semaphore_mem>>
        %dma_start3A_322 = tpu.memref_slice %arg6[%add3A_178, %mul3A_196] : memref<64x16384xf32, #tpu.memory_space<hbm>> -> memref<1x512xf32, #tpu.memory_space<hbm>>
        %dma_start3A_323 = tpu.memref_squeeze %dma_start3A_322 : memref<1x512xf32, #tpu.memory_space<hbm>> -> memref<512xf32, #tpu.memory_space<hbm>>
        %dma_start3A_324 = tpu.memref_slice %arg6[%add3A_178, %mul3A_196] : memref<64x16384xf32, #tpu.memory_space<hbm>> -> memref<1x512xf32, #tpu.memory_space<hbm>>
        %dma_start3A_325 = tpu.memref_squeeze %dma_start3A_324 : memref<1x512xf32, #tpu.memory_space<hbm>> -> memref<512xf32, #tpu.memory_space<hbm>>
        tpu.enqueue_dma source(%arg14 : memref<512xf32, #tpu.memory_space<vmem>>) target(%dma_start3A_325 : memref<512xf32, #tpu.memory_space<hbm>>) target_semaphore(%run_scoped3A : memref<!tpu.dma_semaphore, #tpu.memory_space<semaphore_mem>>)
        %dma_wait3A_326 = tpu.memref_slice %arg6[%add3A_178, %mul3A_196] : memref<64x16384xf32, #tpu.memory_space<hbm>> -> memref<1x512xf32, #tpu.memory_space<hbm>>
        %dma_wait3A_327 = tpu.memref_squeeze %dma_wait3A_326 : memref<1x512xf32, #tpu.memory_space<hbm>> -> memref<512xf32, #tpu.memory_space<hbm>>
        %dma_wait3A_328 = tpu.memref_slice %arg6[%add3A_178, %mul3A_196] : memref<64x16384xf32, #tpu.memory_space<hbm>> -> memref<1x512xf32, #tpu.memory_space<hbm>>
        %dma_wait3A_329 = tpu.memref_squeeze %dma_wait3A_328 : memref<1x512xf32, #tpu.memory_space<hbm>> -> memref<512xf32, #tpu.memory_space<hbm>>
        tpu.wait_dma2 semaphore(%run_scoped3A : memref<!tpu.dma_semaphore, #tpu.memory_space<semaphore_mem>>) src(%arg14 : memref<512xf32, #tpu.memory_space<vmem>>) dst(%dma_wait3A_329 : memref<512xf32, #tpu.memory_space<hbm>>)
        tpu.yield
      }) : () -> ()
      %add3A_202 = arith.constant 2 : i32
      %add3A_203 = arith.addi %add3A_38, %add3A_202 : i32
      %lt3A_204 = arith.constant 64 : i32
      %lt3A_205 = arith.cmpi slt, %add3A_203, %lt3A_204 : i32
      %convert_element_type3A = arith.extui %lt3A_205 : i1 to i32
      %cond3A = arith.constant 0 : i32
      %cond3A_206 = arith.cmpi ne, %convert_element_type3A, %cond3A : i32
      scf.if %cond3A_206 {
        %add3A_322 = arith.constant 2 : i32
        %add3A_323 = arith.addi %add3A_38, %add3A_322 : i32
        %mul3A_324 = arith.constant 2 : i32
        %mul3A_325 = arith.muli %add3A, %mul3A_324 : i32
        %jit3A_326 = arith.constant 32 : i32
        %div3A_327 = arith.divsi %add3A_323, %jit3A_326 : i32
        %sign3A_328 = arith.constant 0 : i32
        %sign3A_329 = arith.cmpi sgt, %add3A_323, %sign3A_328 : i32
        %sign3A_330 = arith.extui %sign3A_329 : i1 to i32
        %sign3A_331 = arith.constant 0 : i32
        %sign3A_332 = arith.cmpi slt, %add3A_323, %sign3A_331 : i32
        %sign3A_333 = arith.extui %sign3A_332 : i1 to i32
        %sign3A_334 = arith.subi %sign3A_330, %sign3A_333 : i32
        %sign3A_335 = arith.constant 0 : i32
        %sign3A_336 = arith.cmpi sgt, %jit3A_326, %sign3A_335 : i32
        %sign3A_337 = arith.extui %sign3A_336 : i1 to i32
        %sign3A_338 = arith.constant 0 : i32
        %sign3A_339 = arith.cmpi slt, %jit3A_326, %sign3A_338 : i32
        %sign3A_340 = arith.extui %sign3A_339 : i1 to i32
        %sign3A_341 = arith.subi %sign3A_337, %sign3A_340 : i32
        %ne3A_342 = arith.cmpi ne, %sign3A_334, %sign3A_341 : i32
        %rem3A_343 = arith.remsi %add3A_323, %jit3A_326 : i32
        %ne3A_344 = arith.constant 0 : i32
        %ne3A_345 = arith.cmpi ne, %rem3A_343, %ne3A_344 : i32
        %and3A_346 = arith.andi %ne3A_342, %ne3A_345 : i1
        %sub3A_347 = arith.constant 1 : i32
        %sub3A_348 = arith.subi %div3A_327, %sub3A_347 : i32
        %select_n3A_349 = arith.select %and3A_346, %sub3A_348, %div3A_327 : i32
        %add3A_350 = arith.addi %mul3A_325, %select_n3A_349 : i32
        %jit3A_351 = arith.constant 32 : i32
        %eq3A_352 = arith.constant 0 : i32
        %eq3A_353 = arith.cmpi eq, %jit3A_351, %eq3A_352 : i32
        %jit3A_354 = arith.constant 1 : i32
        %select_n3A_355 = arith.select %eq3A_353, %jit3A_354, %jit3A_351 : i32
        %rem3A_356 = arith.remsi %add3A_323, %select_n3A_355 : i32
        %ne3A_357 = arith.constant 0 : i32
        %ne3A_358 = arith.cmpi ne, %rem3A_356, %ne3A_357 : i32
        %lt3A_359 = arith.constant 0 : i32
        %lt3A_360 = arith.cmpi slt, %rem3A_356, %lt3A_359 : i32
        %lt3A_361 = arith.constant 0 : i32
        %lt3A_362 = arith.cmpi slt, %select_n3A_355, %lt3A_361 : i32
        %ne3A_363 = arith.xori %lt3A_360, %lt3A_362 : i1
        %and3A_364 = arith.andi %ne3A_363, %ne3A_358 : i1
        %add3A_365 = arith.addi %rem3A_356, %select_n3A_355 : i32
        %select_n3A_366 = arith.select %and3A_364, %add3A_365, %rem3A_356 : i32
        %mul3A_367 = arith.constant 512 : i32
        %mul3A_368 = arith.muli %select_n3A_366, %mul3A_367 : i32
        %dma_start3A_369 = arith.constant 0 : i32
        %dma_start3A_370 = tpu.memref_slice %arg3[%add3A_350, %dma_start3A_369, %mul3A_368] : memref<64x32x16384xf32, #tpu.memory_space<hbm>> -> memref<1x32x512xf32, #tpu.memory_space<hbm>>
        %dma_start3A_371 = tpu.memref_squeeze %dma_start3A_370 : memref<1x32x512xf32, #tpu.memory_space<hbm>> -> memref<32x512xf32, #tpu.memory_space<hbm>>
        %dma_start3A_372 = arith.constant 0 : i32
        %dma_start3A_373 = tpu.memref_slice %arg3[%add3A_350, %dma_start3A_372, %mul3A_368] : memref<64x32x16384xf32, #tpu.memory_space<hbm>> -> memref<1x32x512xf32, #tpu.memory_space<hbm>>
        %dma_start3A_374 = tpu.memref_squeeze %dma_start3A_373 : memref<1x32x512xf32, #tpu.memory_space<hbm>> -> memref<32x512xf32, #tpu.memory_space<hbm>>
        tpu.enqueue_dma source(%dma_start3A_374 : memref<32x512xf32, #tpu.memory_space<hbm>>) target(%arg8 : memref<32x512xf32, #tpu.memory_space<vmem>>) target_semaphore(%arg19 : memref<!tpu.dma_semaphore, #tpu.memory_space<semaphore_mem>>)
        %dma_start3A_375 = arith.constant 0 : i32
        %dma_start3A_376 = tpu.memref_slice %arg4[%dma_start3A_375, %add3A_350, %mul3A_368] : memref<33x64x16384xf32, #tpu.memory_space<hbm>> -> memref<33x1x512xf32, #tpu.memory_space<hbm>>
        %dma_start3A_377 = tpu.memref_squeeze %dma_start3A_376 : memref<33x1x512xf32, #tpu.memory_space<hbm>> -> memref<33x512xf32, #tpu.memory_space<hbm>>
        %dma_start3A_378 = arith.constant 0 : i32
        %dma_start3A_379 = tpu.memref_slice %arg4[%dma_start3A_378, %add3A_350, %mul3A_368] : memref<33x64x16384xf32, #tpu.memory_space<hbm>> -> memref<33x1x512xf32, #tpu.memory_space<hbm>>
        %dma_start3A_380 = tpu.memref_squeeze %dma_start3A_379 : memref<33x1x512xf32, #tpu.memory_space<hbm>> -> memref<33x512xf32, #tpu.memory_space<hbm>>
        tpu.enqueue_dma source(%dma_start3A_380 : memref<33x512xf32, #tpu.memory_space<hbm>>) target(%arg9 : memref<33x512xf32, #tpu.memory_space<vmem>>) target_semaphore(%arg19 : memref<!tpu.dma_semaphore, #tpu.memory_space<semaphore_mem>>)
        %dma_start3A_381 = tpu.memref_slice %arg2[%add3A_350, %mul3A_368] : memref<64x16384xf32, #tpu.memory_space<hbm>> -> memref<1x512xf32, #tpu.memory_space<hbm>>
        %dma_start3A_382 = tpu.memref_squeeze %dma_start3A_381 : memref<1x512xf32, #tpu.memory_space<hbm>> -> memref<512xf32, #tpu.memory_space<hbm>>
        %dma_start3A_383 = tpu.memref_slice %arg2[%add3A_350, %mul3A_368] : memref<64x16384xf32, #tpu.memory_space<hbm>> -> memref<1x512xf32, #tpu.memory_space<hbm>>
        %dma_start3A_384 = tpu.memref_squeeze %dma_start3A_383 : memref<1x512xf32, #tpu.memory_space<hbm>> -> memref<512xf32, #tpu.memory_space<hbm>>
        tpu.enqueue_dma source(%dma_start3A_384 : memref<512xf32, #tpu.memory_space<hbm>>) target(%arg7 : memref<512xf32, #tpu.memory_space<vmem>>) target_semaphore(%arg19 : memref<!tpu.dma_semaphore, #tpu.memory_space<semaphore_mem>>)
      } else {
      }
      %add3A_207 = arith.constant 1 : i32
      %add3A_208 = arith.addi %add3A_38, %add3A_207 : i32
      %mul3A_209 = arith.constant 2 : i32
      %mul3A_210 = arith.muli %add3A, %mul3A_209 : i32
      %jit3A_211 = arith.constant 32 : i32
      %div3A_212 = arith.divsi %add3A_208, %jit3A_211 : i32
      %sign3A_213 = arith.constant 0 : i32
      %sign3A_214 = arith.cmpi sgt, %add3A_208, %sign3A_213 : i32
      %sign3A_215 = arith.extui %sign3A_214 : i1 to i32
      %sign3A_216 = arith.constant 0 : i32
      %sign3A_217 = arith.cmpi slt, %add3A_208, %sign3A_216 : i32
      %sign3A_218 = arith.extui %sign3A_217 : i1 to i32
      %sign3A_219 = arith.subi %sign3A_215, %sign3A_218 : i32
      %sign3A_220 = arith.constant 0 : i32
      %sign3A_221 = arith.cmpi sgt, %jit3A_211, %sign3A_220 : i32
      %sign3A_222 = arith.extui %sign3A_221 : i1 to i32
      %sign3A_223 = arith.constant 0 : i32
      %sign3A_224 = arith.cmpi slt, %jit3A_211, %sign3A_223 : i32
      %sign3A_225 = arith.extui %sign3A_224 : i1 to i32
      %sign3A_226 = arith.subi %sign3A_222, %sign3A_225 : i32
      %ne3A_227 = arith.cmpi ne, %sign3A_219, %sign3A_226 : i32
      %rem3A_228 = arith.remsi %add3A_208, %jit3A_211 : i32
      %ne3A_229 = arith.constant 0 : i32
      %ne3A_230 = arith.cmpi ne, %rem3A_228, %ne3A_229 : i32
      %and3A_231 = arith.andi %ne3A_227, %ne3A_230 : i1
      %sub3A_232 = arith.constant 1 : i32
      %sub3A_233 = arith.subi %div3A_212, %sub3A_232 : i32
      %select_n3A_234 = arith.select %and3A_231, %sub3A_233, %div3A_212 : i32
      %add3A_235 = arith.addi %mul3A_210, %select_n3A_234 : i32
      %jit3A_236 = arith.constant 32 : i32
      %eq3A_237 = arith.constant 0 : i32
      %eq3A_238 = arith.cmpi eq, %jit3A_236, %eq3A_237 : i32
      %jit3A_239 = arith.constant 1 : i32
      %select_n3A_240 = arith.select %eq3A_238, %jit3A_239, %jit3A_236 : i32
      %rem3A_241 = arith.remsi %add3A_208, %select_n3A_240 : i32
      %ne3A_242 = arith.constant 0 : i32
      %ne3A_243 = arith.cmpi ne, %rem3A_241, %ne3A_242 : i32
      %lt3A_244 = arith.constant 0 : i32
      %lt3A_245 = arith.cmpi slt, %rem3A_241, %lt3A_244 : i32
      %lt3A_246 = arith.constant 0 : i32
      %lt3A_247 = arith.cmpi slt, %select_n3A_240, %lt3A_246 : i32
      %ne3A_248 = arith.xori %lt3A_245, %lt3A_247 : i1
      %and3A_249 = arith.andi %ne3A_248, %ne3A_243 : i1
      %add3A_250 = arith.addi %rem3A_241, %select_n3A_240 : i32
      %select_n3A_251 = arith.select %and3A_249, %add3A_250, %rem3A_241 : i32
      %mul3A_252 = arith.constant 512 : i32
      %mul3A_253 = arith.muli %select_n3A_251, %mul3A_252 : i32
      %dma_wait3A_254 = arith.constant 0 : i32
      %dma_wait3A_255 = tpu.memref_slice %arg3[%add3A_235, %dma_wait3A_254, %mul3A_253] : memref<64x32x16384xf32, #tpu.memory_space<hbm>> -> memref<1x32x512xf32, #tpu.memory_space<hbm>>
      %dma_wait3A_256 = tpu.memref_squeeze %dma_wait3A_255 : memref<1x32x512xf32, #tpu.memory_space<hbm>> -> memref<32x512xf32, #tpu.memory_space<hbm>>
      %dma_wait3A_257 = arith.constant 0 : i32
      %dma_wait3A_258 = tpu.memref_slice %arg3[%add3A_235, %dma_wait3A_257, %mul3A_253] : memref<64x32x16384xf32, #tpu.memory_space<hbm>> -> memref<1x32x512xf32, #tpu.memory_space<hbm>>
      %dma_wait3A_259 = tpu.memref_squeeze %dma_wait3A_258 : memref<1x32x512xf32, #tpu.memory_space<hbm>> -> memref<32x512xf32, #tpu.memory_space<hbm>>
      tpu.wait_dma2 semaphore(%arg20 : memref<!tpu.dma_semaphore, #tpu.memory_space<semaphore_mem>>) src(%dma_wait3A_259 : memref<32x512xf32, #tpu.memory_space<hbm>>) dst(%arg11 : memref<32x512xf32, #tpu.memory_space<vmem>>)
      %dma_wait3A_260 = arith.constant 0 : i32
      %dma_wait3A_261 = tpu.memref_slice %arg4[%dma_wait3A_260, %add3A_235, %mul3A_253] : memref<33x64x16384xf32, #tpu.memory_space<hbm>> -> memref<33x1x512xf32, #tpu.memory_space<hbm>>
      %dma_wait3A_262 = tpu.memref_squeeze %dma_wait3A_261 : memref<33x1x512xf32, #tpu.memory_space<hbm>> -> memref<33x512xf32, #tpu.memory_space<hbm>>
      %dma_wait3A_263 = arith.constant 0 : i32
      %dma_wait3A_264 = tpu.memref_slice %arg4[%dma_wait3A_263, %add3A_235, %mul3A_253] : memref<33x64x16384xf32, #tpu.memory_space<hbm>> -> memref<33x1x512xf32, #tpu.memory_space<hbm>>
      %dma_wait3A_265 = tpu.memref_squeeze %dma_wait3A_264 : memref<33x1x512xf32, #tpu.memory_space<hbm>> -> memref<33x512xf32, #tpu.memory_space<hbm>>
      tpu.wait_dma2 semaphore(%arg20 : memref<!tpu.dma_semaphore, #tpu.memory_space<semaphore_mem>>) src(%dma_wait3A_265 : memref<33x512xf32, #tpu.memory_space<hbm>>) dst(%arg12 : memref<33x512xf32, #tpu.memory_space<vmem>>)
      %dma_wait3A_266 = tpu.memref_slice %arg2[%add3A_235, %mul3A_253] : memref<64x16384xf32, #tpu.memory_space<hbm>> -> memref<1x512xf32, #tpu.memory_space<hbm>>
      %dma_wait3A_267 = tpu.memref_squeeze %dma_wait3A_266 : memref<1x512xf32, #tpu.memory_space<hbm>> -> memref<512xf32, #tpu.memory_space<hbm>>
      %dma_wait3A_268 = tpu.memref_slice %arg2[%add3A_235, %mul3A_253] : memref<64x16384xf32, #tpu.memory_space<hbm>> -> memref<1x512xf32, #tpu.memory_space<hbm>>
      %dma_wait3A_269 = tpu.memref_squeeze %dma_wait3A_268 : memref<1x512xf32, #tpu.memory_space<hbm>> -> memref<512xf32, #tpu.memory_space<hbm>>
      tpu.wait_dma2 semaphore(%arg20 : memref<!tpu.dma_semaphore, #tpu.memory_space<semaphore_mem>>) src(%dma_wait3A_269 : memref<512xf32, #tpu.memory_space<hbm>>) dst(%arg10 : memref<512xf32, #tpu.memory_space<vmem>>)
      %add3A_270 = arith.constant 1 : i32
      %add3A_271 = arith.addi %add3A_38, %add3A_270 : i32
      %mul3A_272 = arith.constant 2 : i32
      %mul3A_273 = arith.muli %add3A, %mul3A_272 : i32
      %jit3A_274 = arith.constant 32 : i32
      %div3A_275 = arith.divsi %add3A_271, %jit3A_274 : i32
      %sign3A_276 = arith.constant 0 : i32
      %sign3A_277 = arith.cmpi sgt, %add3A_271, %sign3A_276 : i32
      %sign3A_278 = arith.extui %sign3A_277 : i1 to i32
      %sign3A_279 = arith.constant 0 : i32
      %sign3A_280 = arith.cmpi slt, %add3A_271, %sign3A_279 : i32
      %sign3A_281 = arith.extui %sign3A_280 : i1 to i32
      %sign3A_282 = arith.subi %sign3A_278, %sign3A_281 : i32
      %sign3A_283 = arith.constant 0 : i32
      %sign3A_284 = arith.cmpi sgt, %jit3A_274, %sign3A_283 : i32
      %sign3A_285 = arith.extui %sign3A_284 : i1 to i32
      %sign3A_286 = arith.constant 0 : i32
      %sign3A_287 = arith.cmpi slt, %jit3A_274, %sign3A_286 : i32
      %sign3A_288 = arith.extui %sign3A_287 : i1 to i32
      %sign3A_289 = arith.subi %sign3A_285, %sign3A_288 : i32
      %ne3A_290 = arith.cmpi ne, %sign3A_282, %sign3A_289 : i32
      %rem3A_291 = arith.remsi %add3A_271, %jit3A_274 : i32
      %ne3A_292 = arith.constant 0 : i32
      %ne3A_293 = arith.cmpi ne, %rem3A_291, %ne3A_292 : i32
      %and3A_294 = arith.andi %ne3A_290, %ne3A_293 : i1
      %sub3A_295 = arith.constant 1 : i32
      %sub3A_296 = arith.subi %div3A_275, %sub3A_295 : i32
      %select_n3A_297 = arith.select %and3A_294, %sub3A_296, %div3A_275 : i32
      %add3A_298 = arith.addi %mul3A_273, %select_n3A_297 : i32
      %jit3A_299 = arith.constant 32 : i32
      %eq3A_300 = arith.constant 0 : i32
      %eq3A_301 = arith.cmpi eq, %jit3A_299, %eq3A_300 : i32
      %jit3A_302 = arith.constant 1 : i32
      %select_n3A_303 = arith.select %eq3A_301, %jit3A_302, %jit3A_299 : i32
      %rem3A_304 = arith.remsi %add3A_271, %select_n3A_303 : i32
      %ne3A_305 = arith.constant 0 : i32
      %ne3A_306 = arith.cmpi ne, %rem3A_304, %ne3A_305 : i32
      %lt3A_307 = arith.constant 0 : i32
      %lt3A_308 = arith.cmpi slt, %rem3A_304, %lt3A_307 : i32
      %lt3A_309 = arith.constant 0 : i32
      %lt3A_310 = arith.cmpi slt, %select_n3A_303, %lt3A_309 : i32
      %ne3A_311 = arith.xori %lt3A_308, %lt3A_310 : i1
      %and3A_312 = arith.andi %ne3A_311, %ne3A_306 : i1
      %add3A_313 = arith.addi %rem3A_304, %select_n3A_303 : i32
      %select_n3A_314 = arith.select %and3A_312, %add3A_313, %rem3A_304 : i32
      %mul3A_315 = arith.constant 512 : i32
      %mul3A_316 = arith.muli %select_n3A_314, %mul3A_315 : i32
      %scan3A_317 = arith.constant 0 : i32
      %scan3A_318 = arith.constant 32 : i32
      %scan3A_319 = arith.addi %scan3A_317, %scan3A_318 : i32
      %scan3A_320 = arith.constant 1 : i32
      scf.for %scan3A_322 = %scan3A_317 to %scan3A_319 step %scan3A_320  : i32 {
        %mul3A_323 = arith.constant 1 : i32
        %mul3A_324 = arith.muli %scan3A_322, %mul3A_323 : i32
        %add3A_325 = arith.constant 0 : i32
        %add3A_326 = arith.addi %add3A_325, %mul3A_324 : i32
        %mul3A_327 = arith.constant 16 : i32
        %mul3A_328 = arith.muli %add3A_326, %mul3A_327 : i32
        %get3A = arith.index_cast %mul3A_328 : i32 to index
        %get3A_329 = tpu.vector_load %arg10[%get3A] {strides = array<i32>} : memref<512xf32, #tpu.memory_space<vmem>>, vector<16xf32>,
        %jit3A_330 = arith.constant -3.000000e+00 : f32
        %jit3A_331 = arith.constant 3.000000e+00 : f32
        %max3A = vector.broadcast %jit3A_330 : f32 to vector<16xf32>
        %max3A_332 = arith.maximumf %max3A, %get3A_329 : vector<16xf32>
        %min3A = vector.broadcast %jit3A_331 : f32 to vector<16xf32>
        %min3A_333 = arith.minimumf %min3A, %max3A_332 : vector<16xf32>
        %add3A_334 = arith.constant 3.000000e+00 : f32
        %add3A_335 = vector.broadcast %add3A_334 : f32 to vector<16xf32>
        %add3A_336 = arith.addf %min3A_333, %add3A_335 : vector<16xf32>
        %mul3A_337 = arith.constant 0.166666672 : f32
        %mul3A_338 = vector.broadcast %mul3A_337 : f32 to vector<16xf32>
        %mul3A_339 = arith.mulf %add3A_336, %mul3A_338 : vector<16xf32>
        %parallel_loop3A = arith.constant 0 : i32
        %parallel_loop3A_340 = arith.constant 32 : i32
        %parallel_loop3A_341 = arith.constant 1 : i32
        %parallel_loop3A_342 = scf.for %parallel_loop3A_482 = %parallel_loop3A to %parallel_loop3A_340 step %parallel_loop3A_341 iter_args(%parallel_loop3A_483 = %broadcast_in_dim3A_1) -> (vector<16xf32>)  : i32 {
          %parallel_loop3A_484 = arith.index_cast %parallel_loop3A_482 : i32 to index
          %parallel_loop3A_485 = arith.index_cast %mul3A_328 : i32 to index
          %parallel_loop3A_486 = tpu.vector_load %arg11[%parallel_loop3A_484, %parallel_loop3A_485] {strides = array<i32>} : memref<32x512xf32, #tpu.memory_space<vmem>>, vector<16xf32>,
          %parallel_loop3A_487 = math.exp %parallel_loop3A_486 : vector<16xf32>
          %parallel_loop3A_488 = arith.constant 16 : i32
          %parallel_loop3A_489 = arith.muli %parallel_loop3A_482, %parallel_loop3A_488 : i32
          %parallel_loop3A_490 = arith.index_cast %parallel_loop3A_489 : i32 to index
          %parallel_loop3A_491 = tpu.vector_load %arg15[%parallel_loop3A_490] {strides = array<i32>} : memref<512xf32, #tpu.memory_space<vmem>>, vector<16xf32>,
          tpu.vector_store %arg15[%parallel_loop3A_490], %parallel_loop3A_487 {strides = array<i32>} : memref<512xf32, #tpu.memory_space<vmem>>, vector<16xf32>,
          %parallel_loop3A_492 = arith.addf %parallel_loop3A_483, %parallel_loop3A_487 : vector<16xf32>
          scf.yield %parallel_loop3A_492 : vector<16xf32>
        } {sc.loop_unroll_factor = 8 : i64, sc.parallel_access}
        %div3A_343 = arith.constant 0.967999994 : f32
        %div3A_344 = vector.broadcast %div3A_343 : f32 to vector<16xf32>
        %div3A_345 = arith.divf %div3A_344, %parallel_loop3A_342 : vector<16xf32>
        %get3A_346 = arith.constant 0 : i32
        %get3A_347 = arith.index_cast %get3A_346 : i32 to index
        %get3A_348 = arith.index_cast %mul3A_328 : i32 to index
        %get3A_349 = tpu.vector_load %arg12[%get3A_347, %get3A_348] {strides = array<i32>} : memref<33x512xf32, #tpu.memory_space<vmem>>, vector<16xf32>,
        %exp3A = math.exp %get3A_349 : vector<16xf32>
        %swap3A_350 = arith.constant 0 : index
        %swap3A_351 = tpu.vector_load %arg16[%swap3A_350] {strides = array<i32>} : memref<528xf32, #tpu.memory_space<vmem>>, vector<16xf32>,
        tpu.vector_store %arg16[%swap3A_350], %exp3A {strides = array<i32>} : memref<528xf32, #tpu.memory_space<vmem>>, vector<16xf32>,
        %mul3A_352 = arith.constant 0 : i32
        %mul3A_353 = vector.broadcast %mul3A_352 : i32 to vector<16xi32>
        %mul3A_354 = arith.muli %iota3A, %mul3A_353 : vector<16xi32>
        %parallel_loop3A_355 = arith.constant 1 : i32
        %parallel_loop3A_356 = arith.constant 33 : i32
        %parallel_loop3A_357 = arith.constant 1 : i32
        %parallel_loop3A_358:4 = scf.for %parallel_loop3A_482 = %parallel_loop3A_355 to %parallel_loop3A_356 step %parallel_loop3A_357 iter_args(%parallel_loop3A_483 = %broadcast_in_dim3A_1, %parallel_loop3A_484 = %broadcast_in_dim3A_1, %parallel_loop3A_485 = %mul3A_354, %parallel_loop3A_486 = %exp3A) -> (vector<16xf32>, vector<16xf32>, vector<16xi32>, vector<16xf32>)  : i32 {
          %parallel_loop3A_487 = arith.index_cast %parallel_loop3A_482 : i32 to index
          %parallel_loop3A_488 = arith.index_cast %mul3A_328 : i32 to index
          %parallel_loop3A_489 = tpu.vector_load %arg12[%parallel_loop3A_487, %parallel_loop3A_488] {strides = array<i32>} : memref<33x512xf32, #tpu.memory_space<vmem>>, vector<16xf32>,
          %parallel_loop3A_490 = math.exp %parallel_loop3A_489 : vector<16xf32>
          %parallel_loop3A_491 = arith.constant 16 : i32
          %parallel_loop3A_492 = arith.muli %parallel_loop3A_482, %parallel_loop3A_491 : i32
          %parallel_loop3A_493 = arith.index_cast %parallel_loop3A_492 : i32 to index
          %parallel_loop3A_494 = tpu.vector_load %arg16[%parallel_loop3A_493] {strides = array<i32>} : memref<528xf32, #tpu.memory_space<vmem>>, vector<16xf32>,
          tpu.vector_store %arg16[%parallel_loop3A_493], %parallel_loop3A_490 {strides = array<i32>} : memref<528xf32, #tpu.memory_space<vmem>>, vector<16xf32>,
          %parallel_loop3A_495 = arith.constant 16 : i32
          %parallel_loop3A_496 = arith.muli %parallel_loop3A_482, %parallel_loop3A_495 : i32
          %parallel_loop3A_497 = arith.constant 16 : i32
          %parallel_loop3A_498 = arith.subi %parallel_loop3A_496, %parallel_loop3A_497 : i32
          %parallel_loop3A_499 = arith.index_cast %parallel_loop3A_498 : i32 to index
          %parallel_loop3A_500 = tpu.vector_load %arg15[%parallel_loop3A_499] {strides = array<i32>} : memref<512xf32, #tpu.memory_space<vmem>>, vector<16xf32>,
          %parallel_loop3A_501 = arith.mulf %div3A_345, %parallel_loop3A_500 : vector<16xf32>
          %parallel_loop3A_502 = arith.constant 1.000000e-03 : f32
          %parallel_loop3A_503 = vector.broadcast %parallel_loop3A_502 : f32 to vector<16xf32>
          %parallel_loop3A_504 = arith.addf %parallel_loop3A_503, %parallel_loop3A_501 : vector<16xf32>
          %parallel_loop3A_505 = arith.addf %parallel_loop3A_483, %parallel_loop3A_504 : vector<16xf32>
          %parallel_loop3A_506 = arith.constant 16 : i32
          %parallel_loop3A_507 = arith.muli %parallel_loop3A_482, %parallel_loop3A_506 : i32
          %parallel_loop3A_508 = arith.index_cast %parallel_loop3A_507 : i32 to index
          %parallel_loop3A_509 = tpu.vector_load %arg17[%parallel_loop3A_508] {strides = array<i32>} : memref<528xf32, #tpu.memory_space<vmem>>, vector<16xf32>,
          tpu.vector_store %arg17[%parallel_loop3A_508], %parallel_loop3A_505 {strides = array<i32>} : memref<528xf32, #tpu.memory_space<vmem>>, vector<16xf32>,
          %parallel_loop3A_510 = arith.addf %parallel_loop3A_486, %parallel_loop3A_490 : vector<16xf32>
          %parallel_loop3A_511 = arith.mulf %parallel_loop3A_510, %parallel_loop3A_504 : vector<16xf32>
          %parallel_loop3A_512 = arith.addf %parallel_loop3A_484, %parallel_loop3A_511 : vector<16xf32>
          %parallel_loop3A_513 = arith.constant 16 : i32
          %parallel_loop3A_514 = arith.muli %parallel_loop3A_482, %parallel_loop3A_513 : i32
          %parallel_loop3A_515 = arith.index_cast %parallel_loop3A_514 : i32 to index
          %parallel_loop3A_516 = tpu.vector_load %arg18[%parallel_loop3A_515] {strides = array<i32>} : memref<528xf32, #tpu.memory_space<vmem>>, vector<16xf32>,
          tpu.vector_store %arg18[%parallel_loop3A_515], %parallel_loop3A_512 {strides = array<i32>} : memref<528xf32, #tpu.memory_space<vmem>>, vector<16xf32>,
          %parallel_loop3A_517 = arith.cmpf oge, %mul3A_339, %parallel_loop3A_505 : vector<16xf32>
          %parallel_loop3A_518 = arith.constant 32 : i32
          %parallel_loop3A_519 = arith.cmpi slt, %parallel_loop3A_482, %parallel_loop3A_518 : i32
          %parallel_loop3A_520 = vector.broadcast %parallel_loop3A_519 : i1 to vector<16xi1>
          %parallel_loop3A_521 = arith.andi %parallel_loop3A_517, %parallel_loop3A_520 : vector<16xi1>
          %parallel_loop3A_522 = arith.constant 1 : i32
          %parallel_loop3A_523 = arith.constant 0 : i32
          %parallel_loop3A_524 = vector.broadcast %parallel_loop3A_522 : i32 to vector<16xi32>
          %parallel_loop3A_525 = vector.broadcast %parallel_loop3A_523 : i32 to vector<16xi32>
          %parallel_loop3A_526 = arith.select %parallel_loop3A_521, %parallel_loop3A_524, %parallel_loop3A_525 : vector<16xi1>, vector<16xi32>
          %parallel_loop3A_527 = arith.addi %parallel_loop3A_485, %parallel_loop3A_526 : vector<16xi32>
          scf.yield %parallel_loop3A_505, %parallel_loop3A_512, %parallel_loop3A_527, %parallel_loop3A_490 : vector<16xf32>, vector<16xf32>, vector<16xi32>, vector<16xf32>
        } {sc.loop_unroll_factor = 16 : i64, sc.parallel_access}
        %div3A_359 = arith.constant 9.990000e-01 : f32
        %div3A_360 = vector.broadcast %div3A_359 : f32 to vector<16xf32>
        %div3A_361 = arith.divf %div3A_360, %parallel_loop3A_358#1 : vector<16xf32>
        %mul3A_362 = arith.constant 16 : i32
        %mul3A_363 = vector.broadcast %mul3A_362 : i32 to vector<16xi32>
        %mul3A_364 = arith.muli %parallel_loop3A_358#2, %mul3A_363 : vector<16xi32>
        %add3A_365 = arith.addi %mul3A_364, %iota3A : vector<16xi32>
        %gather3A = tpu.vector_load_idx %arg17[%add3A_365] : memref<528xf32, #tpu.memory_space<vmem>>[vector<16xi32>], vector<16xf32>,
        %gather3A_366 = tpu.vector_load_idx %arg18[%add3A_365] : memref<528xf32, #tpu.memory_space<vmem>>[vector<16xi32>], vector<16xf32>,
        %gather3A_367 = tpu.vector_load_idx %arg15[%add3A_365] : memref<512xf32, #tpu.memory_space<vmem>>[vector<16xi32>], vector<16xf32>,
        %mul3A_368 = arith.mulf %div3A_345, %gather3A_367 : vector<16xf32>
        %add3A_369 = arith.constant 1.000000e-03 : f32
        %add3A_370 = vector.broadcast %add3A_369 : f32 to vector<16xf32>
        %add3A_371 = arith.addf %add3A_370, %mul3A_368 : vector<16xf32>
        %gather3A_372 = tpu.vector_load_idx %arg16[%add3A_365] : memref<528xf32, #tpu.memory_space<vmem>>[vector<16xi32>], vector<16xf32>,
        %mul3A_373 = arith.mulf %div3A_361, %gather3A_372 : vector<16xf32>
        %add3A_374 = arith.constant 5.000000e-04 : f32
        %add3A_375 = vector.broadcast %add3A_374 : f32 to vector<16xf32>
        %add3A_376 = arith.addf %add3A_375, %mul3A_373 : vector<16xf32>
        %add3A_377 = arith.constant 16 : i32
        %add3A_378 = vector.broadcast %add3A_377 : i32 to vector<16xi32>
        %add3A_379 = arith.addi %add3A_365, %add3A_378 : vector<16xi32>
        %gather3A_380 = tpu.vector_load_idx %arg16[%add3A_379] : memref<528xf32, #tpu.memory_space<vmem>>[vector<16xi32>], vector<16xf32>,
        %mul3A_381 = arith.mulf %div3A_361, %gather3A_380 : vector<16xf32>
        %add3A_382 = arith.constant 5.000000e-04 : f32
        %add3A_383 = vector.broadcast %add3A_382 : f32 to vector<16xf32>
        %add3A_384 = arith.addf %add3A_383, %mul3A_381 : vector<16xf32>
        %mul3A_385 = arith.constant 1.000000e-03 : f32
        %mul3A_386 = vector.broadcast %mul3A_385 : f32 to vector<16xf32>
        %mul3A_387 = arith.mulf %mul3A_386, %gather3A : vector<16xf32>
        %mul3A_388 = arith.mulf %div3A_361, %gather3A_366 : vector<16xf32>
        %add3A_389 = arith.addf %mul3A_387, %mul3A_388 : vector<16xf32>
        %sub3A_390 = arith.subf %mul3A_339, %gather3A : vector<16xf32>
        %div3A_391 = arith.divf %sub3A_390, %add3A_371 : vector<16xf32>
        %sub3A_392 = arith.subf %add3A_384, %add3A_376 : vector<16xf32>
        %mul3A_393 = arith.mulf %add3A_371, %div3A_391 : vector<16xf32>
        %mul3A_394 = arith.mulf %sub3A_392, %div3A_391 : vector<16xf32>
        %mul3A_395 = arith.constant 2.000000e+00 : f32
        %mul3A_396 = vector.broadcast %mul3A_395 : f32 to vector<16xf32>
        %mul3A_397 = arith.mulf %mul3A_396, %add3A_376 : vector<16xf32>
        %add3A_398 = arith.addf %mul3A_394, %mul3A_397 : vector<16xf32>
        %mul3A_399 = arith.mulf %mul3A_393, %add3A_398 : vector<16xf32>
        %add3A_400 = arith.addf %mul3A_399, %add3A_389 : vector<16xf32>
        %jit3A_401 = arith.constant 0.000000e+00 : f32
        %jit3A_402 = arith.constant 1.000000e+00 : f32
        %max3A_403 = vector.broadcast %jit3A_401 : f32 to vector<16xf32>
        %max3A_404 = arith.maximumf %max3A_403, %add3A_400 : vector<16xf32>
        %min3A_405 = vector.broadcast %jit3A_402 : f32 to vector<16xf32>
        %min3A_406 = arith.minimumf %min3A_405, %max3A_404 : vector<16xf32>
        %mul3A_407 = arith.constant 6.000000e+00 : f32
        %mul3A_408 = vector.broadcast %mul3A_407 : f32 to vector<16xf32>
        %mul3A_409 = arith.mulf %min3A_406, %mul3A_408 : vector<16xf32>
        %sub3A_410 = arith.constant 3.000000e+00 : f32
        %sub3A_411 = vector.broadcast %sub3A_410 : f32 to vector<16xf32>
        %sub3A_412 = arith.subf %mul3A_409, %sub3A_411 : vector<16xf32>
        %mul3A_413 = arith.mulf %div3A_391, %sub3A_392 : vector<16xf32>
        %add3A_414 = arith.addf %mul3A_413, %add3A_376 : vector<16xf32>
        %mul3A_415 = arith.constant 2.000000e+00 : f32
        %mul3A_416 = vector.broadcast %mul3A_415 : f32 to vector<16xf32>
        %mul3A_417 = arith.mulf %mul3A_416, %add3A_414 : vector<16xf32>
        %bitcast_convert_type3A = tpu.bitcast %mul3A_417 : vector<16xf32> -> vector<16xi32>
        %shift_right_logical3A = arith.constant 23 : i32
        %shift_right_logical3A_418 = vector.broadcast %shift_right_logical3A : i32 to vector<16xi32>
        %shift_right_logical3A_419 = arith.shrui %bitcast_convert_type3A, %shift_right_logical3A_418 : vector<16xi32>
        %sub3A_420 = arith.constant 127 : i32
        %sub3A_421 = vector.broadcast %sub3A_420 : i32 to vector<16xi32>
        %sub3A_422 = arith.subi %shift_right_logical3A_419, %sub3A_421 : vector<16xi32>
        %and3A_423 = arith.constant 8388607 : i32
        %and3A_424 = vector.broadcast %and3A_423 : i32 to vector<16xi32>
        %and3A_425 = arith.andi %bitcast_convert_type3A, %and3A_424 : vector<16xi32>
        %or3A = arith.constant 1065353216 : i32
        %or3A_426 = vector.broadcast %or3A : i32 to vector<16xi32>
        %or3A_427 = arith.ori %and3A_425, %or3A_426 : vector<16xi32>
        %bitcast_convert_type3A_428 = tpu.bitcast %or3A_427 : vector<16xi32> -> vector<16xf32>
        %gt3A = arith.constant 1.41421354 : f32
        %gt3A_429 = vector.broadcast %gt3A : f32 to vector<16xf32>
        %gt3A_430 = arith.cmpf ogt, %bitcast_convert_type3A_428, %gt3A_429 : vector<16xf32>
        %mul3A_431 = arith.constant 5.000000e-01 : f32
        %mul3A_432 = vector.broadcast %mul3A_431 : f32 to vector<16xf32>
        %mul3A_433 = arith.mulf %bitcast_convert_type3A_428, %mul3A_432 : vector<16xf32>
        %select_n3A_434 = arith.select %gt3A_430, %mul3A_433, %bitcast_convert_type3A_428 : vector<16xi1>, vector<16xf32>
        %convert_element_type3A_435 = arith.sitofp %sub3A_422 : vector<16xi32> to vector<16xf32>
        %jit3A_436 = arith.constant 1.000000e+00 : f32
        %jit3A_437 = arith.constant 0.000000e+00 : f32
        %broadcast_in_dim3A_438 = vector.broadcast %jit3A_436 : f32 to vector<16xf32>
        %broadcast_in_dim3A_439 = vector.broadcast %jit3A_437 : f32 to vector<16xf32>
        %select_n3A_440 = arith.select %gt3A_430, %broadcast_in_dim3A_438, %broadcast_in_dim3A_439 : vector<16xi1>, vector<16xf32>
        %add3A_441 = arith.addf %convert_element_type3A_435, %select_n3A_440 : vector<16xf32>
        %sub3A_442 = arith.constant 1.000000e+00 : f32
        %sub3A_443 = vector.broadcast %sub3A_442 : f32 to vector<16xf32>
        %sub3A_444 = arith.subf %select_n3A_434, %sub3A_443 : vector<16xf32>
        %add3A_445 = arith.constant 1.000000e+00 : f32
        %add3A_446 = vector.broadcast %add3A_445 : f32 to vector<16xf32>
        %add3A_447 = arith.addf %select_n3A_434, %add3A_446 : vector<16xf32>
        %div3A_448 = arith.divf %sub3A_444, %add3A_447 : vector<16xf32>
        %mul3A_449 = arith.mulf %div3A_448, %div3A_448 : vector<16xf32>
        %mul3A_450 = arith.constant 0.285714298 : f32
        %mul3A_451 = vector.broadcast %mul3A_450 : f32 to vector<16xf32>
        %mul3A_452 = arith.mulf %mul3A_449, %mul3A_451 : vector<16xf32>
        %add3A_453 = arith.constant 4.000000e-01 : f32
        %add3A_454 = vector.broadcast %add3A_453 : f32 to vector<16xf32>
        %add3A_455 = arith.addf %add3A_454, %mul3A_452 : vector<16xf32>
        %mul3A_456 = arith.mulf %mul3A_449, %add3A_455 : vector<16xf32>
        %add3A_457 = arith.constant 0.666666686 : f32
        %add3A_458 = vector.broadcast %add3A_457 : f32 to vector<16xf32>
        %add3A_459 = arith.addf %add3A_458, %mul3A_456 : vector<16xf32>
        %mul3A_460 = arith.mulf %mul3A_449, %add3A_459 : vector<16xf32>
        %add3A_461 = arith.constant 2.000000e+00 : f32
        %add3A_462 = vector.broadcast %add3A_461 : f32 to vector<16xf32>
        %add3A_463 = arith.addf %add3A_462, %mul3A_460 : vector<16xf32>
        %mul3A_464 = arith.constant 0.693147182 : f32
        %mul3A_465 = vector.broadcast %mul3A_464 : f32 to vector<16xf32>
        %mul3A_466 = arith.mulf %add3A_441, %mul3A_465 : vector<16xf32>
        %mul3A_467 = arith.mulf %div3A_448, %add3A_463 : vector<16xf32>
        %add3A_468 = arith.addf %mul3A_466, %mul3A_467 : vector<16xf32>
        %ge3A = arith.constant -3.000000e+00 : f32
        %ge3A_469 = vector.broadcast %ge3A : f32 to vector<16xf32>
        %ge3A_470 = arith.cmpf oge, %get3A_329, %ge3A_469 : vector<16xf32>
        %le3A = arith.constant 3.000000e+00 : f32
        %le3A_471 = vector.broadcast %le3A : f32 to vector<16xf32>
        %le3A_472 = arith.cmpf ole, %get3A_329, %le3A_471 : vector<16xf32>
        %and3A_473 = arith.andi %ge3A_470, %le3A_472 : vector<16xi1>
        %select_n3A_474 = arith.select %and3A_473, %sub3A_412, %get3A_329 : vector<16xi1>, vector<16xf32>
        %swap3A_475 = arith.index_cast %mul3A_328 : i32 to index
        %swap3A_476 = tpu.vector_load %arg13[%swap3A_475] {strides = array<i32>} : memref<512xf32, #tpu.memory_space<vmem>>, vector<16xf32>,
        tpu.vector_store %arg13[%swap3A_475], %select_n3A_474 {strides = array<i32>} : memref<512xf32, #tpu.memory_space<vmem>>, vector<16xf32>,
        %jit3A_477 = arith.constant 0.000000e+00 : f32
        %broadcast_in_dim3A_478 = vector.broadcast %jit3A_477 : f32 to vector<16xf32>
        %select_n3A_479 = arith.select %and3A_473, %add3A_468, %broadcast_in_dim3A_478 : vector<16xi1>, vector<16xf32>
        %swap3A_480 = arith.index_cast %mul3A_328 : i32 to index
        %swap3A_481 = tpu.vector_load %arg14[%swap3A_480] {strides = array<i32>} : memref<512xf32, #tpu.memory_space<vmem>>, vector<16xf32>,
        tpu.vector_store %arg14[%swap3A_480], %select_n3A_479 {strides = array<i32>} : memref<512xf32, #tpu.memory_space<vmem>>, vector<16xf32>,
      }
      %scan3A_321 = arith.constant 32 : i32
      "tpu.region"() ({
        %run_scoped3A = tpu.sem_alloc : memref<!tpu.dma_semaphore, #tpu.memory_space<semaphore_mem>>
        %dma_start3A_322 = tpu.memref_slice %arg5[%add3A_298, %mul3A_316] : memref<64x16384xf32, #tpu.memory_space<hbm>> -> memref<1x512xf32, #tpu.memory_space<hbm>>
        %dma_start3A_323 = tpu.memref_squeeze %dma_start3A_322 : memref<1x512xf32, #tpu.memory_space<hbm>> -> memref<512xf32, #tpu.memory_space<hbm>>
        %dma_start3A_324 = tpu.memref_slice %arg5[%add3A_298, %mul3A_316] : memref<64x16384xf32, #tpu.memory_space<hbm>> -> memref<1x512xf32, #tpu.memory_space<hbm>>
        %dma_start3A_325 = tpu.memref_squeeze %dma_start3A_324 : memref<1x512xf32, #tpu.memory_space<hbm>> -> memref<512xf32, #tpu.memory_space<hbm>>
        tpu.enqueue_dma source(%arg13 : memref<512xf32, #tpu.memory_space<vmem>>) target(%dma_start3A_325 : memref<512xf32, #tpu.memory_space<hbm>>) target_semaphore(%run_scoped3A : memref<!tpu.dma_semaphore, #tpu.memory_space<semaphore_mem>>)
        %dma_wait3A_326 = tpu.memref_slice %arg5[%add3A_298, %mul3A_316] : memref<64x16384xf32, #tpu.memory_space<hbm>> -> memref<1x512xf32, #tpu.memory_space<hbm>>
        %dma_wait3A_327 = tpu.memref_squeeze %dma_wait3A_326 : memref<1x512xf32, #tpu.memory_space<hbm>> -> memref<512xf32, #tpu.memory_space<hbm>>
        %dma_wait3A_328 = tpu.memref_slice %arg5[%add3A_298, %mul3A_316] : memref<64x16384xf32, #tpu.memory_space<hbm>> -> memref<1x512xf32, #tpu.memory_space<hbm>>
        %dma_wait3A_329 = tpu.memref_squeeze %dma_wait3A_328 : memref<1x512xf32, #tpu.memory_space<hbm>> -> memref<512xf32, #tpu.memory_space<hbm>>
        tpu.wait_dma2 semaphore(%run_scoped3A : memref<!tpu.dma_semaphore, #tpu.memory_space<semaphore_mem>>) src(%arg13 : memref<512xf32, #tpu.memory_space<vmem>>) dst(%dma_wait3A_329 : memref<512xf32, #tpu.memory_space<hbm>>)
        tpu.yield
      }) : () -> ()
      "tpu.region"() ({
        %run_scoped3A = tpu.sem_alloc : memref<!tpu.dma_semaphore, #tpu.memory_space<semaphore_mem>>
        %dma_start3A_322 = tpu.memref_slice %arg6[%add3A_298, %mul3A_316] : memref<64x16384xf32, #tpu.memory_space<hbm>> -> memref<1x512xf32, #tpu.memory_space<hbm>>
        %dma_start3A_323 = tpu.memref_squeeze %dma_start3A_322 : memref<1x512xf32, #tpu.memory_space<hbm>> -> memref<512xf32, #tpu.memory_space<hbm>>
        %dma_start3A_324 = tpu.memref_slice %arg6[%add3A_298, %mul3A_316] : memref<64x16384xf32, #tpu.memory_space<hbm>> -> memref<1x512xf32, #tpu.memory_space<hbm>>
        %dma_start3A_325 = tpu.memref_squeeze %dma_start3A_324 : memref<1x512xf32, #tpu.memory_space<hbm>> -> memref<512xf32, #tpu.memory_space<hbm>>
        tpu.enqueue_dma source(%arg14 : memref<512xf32, #tpu.memory_space<vmem>>) target(%dma_start3A_325 : memref<512xf32, #tpu.memory_space<hbm>>) target_semaphore(%run_scoped3A : memref<!tpu.dma_semaphore, #tpu.memory_space<semaphore_mem>>)
        %dma_wait3A_326 = tpu.memref_slice %arg6[%add3A_298, %mul3A_316] : memref<64x16384xf32, #tpu.memory_space<hbm>> -> memref<1x512xf32, #tpu.memory_space<hbm>>
        %dma_wait3A_327 = tpu.memref_squeeze %dma_wait3A_326 : memref<1x512xf32, #tpu.memory_space<hbm>> -> memref<512xf32, #tpu.memory_space<hbm>>
        %dma_wait3A_328 = tpu.memref_slice %arg6[%add3A_298, %mul3A_316] : memref<64x16384xf32, #tpu.memory_space<hbm>> -> memref<1x512xf32, #tpu.memory_space<hbm>>
        %dma_wait3A_329 = tpu.memref_squeeze %dma_wait3A_328 : memref<1x512xf32, #tpu.memory_space<hbm>> -> memref<512xf32, #tpu.memory_space<hbm>>
        tpu.wait_dma2 semaphore(%run_scoped3A : memref<!tpu.dma_semaphore, #tpu.memory_space<semaphore_mem>>) src(%arg14 : memref<512xf32, #tpu.memory_space<vmem>>) dst(%dma_wait3A_329 : memref<512xf32, #tpu.memory_space<hbm>>)
        tpu.yield
      }) : () -> ()
    }
    %scan3A_33 = arith.constant 32 : i32
    return
  }
}

</mosaic_0001>

<sc_bundles>
// kernel: kernel.3.cloned.1.call-start
scs
__scs_entry_jumppad:
0x0: {  	(pc) =	sbr.rel $0x88, $3  }
0x1: {  	(tag) =	ssettag $0x0;
	lr =	simm.s32 $0x1  }
0x2: {  	[smem:$0x3F9E] =	sst lr;
	_ =	strace $0xD0000000  }
0x3: {  	_ = 	snop  }
0x4: {  	_ = 	snop  }
0x5: {  	_ = 	snop  }
0x6: {  	_ = 	snop  }
0x7: {  	_ = 	snop  }
__scs_overlays_trampoline_lowered:
0x8: {  	[smem:$0x3FAD] =	sst s0  }
0x9: {  	[smem:$0x3FAE] =	sst s1  }
0xa: {  	[smem:$0x3FAF] =	sst s2  }
0xb: {  	[smem:$0x3FB0] =	sst s3  }
0xc: {  	[smem:$0x3FB1] =	sst s4  }
0xd: {  	[smem:$0x3FB2] =	sst s5  }
0xe: {  	[smem:$0x3FB3] =	sst s6  }
0xf: {  	[smem:$0x3FB4] =	sst s7  }
0x10: {  	[smem:$0x3FB5] =	sst s8  }
0x11: {  	[smem:$0x3FB6] =	sst s9;
	s0 =	simm.s32 @!p0 $0x0  }
0x12: {  	s1 =	sld [smem:$0x3F9C];
	s0 =	simm.s32 @p0 $0x1  }
0x13: {  	[smem:$0x3FB7] =	sst s0;
	s0 =	simm.s32 @!p1 $0x0  }
0x14: {  	s2 =	sld [smem:$0x3F9B];
	s0 =	simm.s32 @p1 $0x1  }
0x15: {  	[smem:$0x3FB8] =	sst s0;
	s0 =	simm.s32 @!p2 $0x0  }
0x16: {  	s3 =	sld [smem:$0x3FDB];
	s0 =	simm.s32 @p2 $0x1  }
0x17: {  	s4 =	simm.s32 $0x1BF5;
	[smem:$0x3FBA] =	sst s0  }
0x18: {  	s0 =	sld [smem:$0x3F9D];
	_ =	swait.ge [sflag:s4], $0x0  }
0x19: {  	s7 =	sld [smem:$0x3F9E]  }
0x1a: {  	s8 =	sadd.s32 $0xFFFFE003, lr  }
0x1b: {  	s9 =	sadd.s32 $0xFFFFFEF7, lr;
	s5 =	simm.s32 $0xFFFFFFFF;
	p2 =	slt.u32 s8, $0xFFFFF086  }
0x1c: {  	p1 =	slt.u32 s9, $0xF7A;
	s5 =	simm.s32 @!p2 $0x0  }
0x1d: {  	s5 =	simm.s32 @p1 $0x1;
	p0 =	seq.s32 s7, s2  }
0x1e: {  	s7 =	smul.u32 @!p0 $0xF7A, s2;
	p2 =	seq.s32 @!p0 s5, $0x0  }
0x1f: {  	s9 =	smul.u32 $0xF7A, s1;
	s8 =	simm.s32 @!p0 $0x1BF5;
	p2 =	por !p2, p0  }
0x20: {  	[sflag:s8] =	ssyncset.s32 @!p0 $0xFFFFF086;
	s6 =	sadd.s32 @!p0 s3, s7;
	s7 =	simm.s32 @!p0 $0x108  }
0x21: {  	s3 =	sadd.s32 s3, s9;
	s6 =	sadd.s32 @!p0 $0x88, s6;
	s7 =	simm.s32 @p2 $0x1082  }
0x22: {  	[simem:s7], [sflag:s8] =	dma.local @!p0 [hbm:s6], $0xF7A  }
0x23: {  	s9 =	sor.u32 $0xD0000000, s2;
	s6 =	simm.s32 $0x108;
	_ =	swait.ge @!p0 [sflag:s8], $0x0  }
0x24: {  	s3 =	sadd.s32 $0x88, s3;
	s6 =	simm.s32 @!p1 $0x1082;
	[sflag:s4] =	ssyncset.s32 $0xFFFFF086  }
0x25: {  	[simem:s6], [sflag:s4] =	dma.local [hbm:s3], $0xF7A  }
0x26: {  	[smem:$0x3F9E] =	sst s1;
	(tag) =	ssettag s2;
	_ =	strace s9  }
0x27: {  	s1 =	sld [smem:$0x3FAE]  }
0x28: {  	s2 =	sld [smem:$0x3FAF]  }
0x29: {  	s4 =	sld [smem:$0x3FB1]  }
0x2a: {  	p0 =	seq.s32 s5, $0x0;
	s5 =	sld [smem:$0x3FB2]  }
0x2b: {  	s6 =	sld [smem:$0x3FB3]  }
0x2c: {  	s7 =	sld [smem:$0x3FB4]  }
0x2d: {  	s3 =	simm.s32 $0x108;
	s8 =	sld [smem:$0x3FB5]  }
0x2e: {  	s3 =	simm.s32 @!p0 $0x1082;
	s9 =	sld [smem:$0x3FB6]  }
0x2f: {  	lr =	sadd.s32 s0, s3;
	s0 =	sld [smem:$0x3FAD]  }
0x30: {  	s3 =	sld [smem:$0x3FB0]  }
0x31: {  	[smem:$0x3FB9] =	sst s10  }
0x32: {  	s10 =	sld [smem:$0x3FB7];
	_ =	sdelay $0x3  }
0x33: {  	p0 =	seq.s32 s10, $0x1;
	s10 =	sld [smem:$0x3FB9];
	_ =	sdelay $0x3  }
0x34: {  	[smem:$0x3FB9] =	sst s10  }
0x35: {  	s10 =	sld [smem:$0x3FB8];
	_ =	sdelay $0x3  }
0x36: {  	p1 =	seq.s32 s10, $0x1;
	s10 =	sld [smem:$0x3FB9];
	_ =	sdelay $0x3  }
0x37: {  	[smem:$0x3FB9] =	sst s10  }
0x38: {  	s10 =	sld [smem:$0x3FBA]  }
0x39: {  	_ = 	snop;
	(pc) =	sbr.ind lr, $3  }
0x3a: {  	_ = 	snop  }
0x3b: {  	_ = 	snop  }
0x3c: {  	p2 =	seq.s32 s10, $0x1;
	s10 =	sld [smem:$0x3FB9]  }
0x3d: {  	_ =	shalt  }
0x3e: {  	_ =	shalt  }
0x3f: {  	_ =	shalt  }
0x40: {  	_ =	shalt  }
0x41: {  	_ =	shalt  }
0x42: {  	_ =	shalt  }
0x43: {  	_ =	shalt  }
0x44: {  	_ =	shalt  }
0x45: {  	_ =	shalt  }
0x46: {  	_ =	shalt  }
0x47: {  	_ =	shalt  }
0x48: {  	_ =	shalt  }
0x49: {  	_ =	shalt  }
0x4a: {  	_ =	shalt  }
0x4b: {  	_ =	shalt  }
0x4c: {  	_ =	shalt  }
0x4d: {  	_ =	shalt  }
0x4e: {  	_ =	shalt  }
0x4f: {  	_ =	shalt  }
0x50: {  	_ =	shalt  }
0x51: {  	_ =	shalt  }
0x52: {  	_ =	shalt  }
0x53: {  	_ =	shalt  }
0x54: {  	_ =	shalt  }
0x55: {  	_ =	shalt  }
0x56: {  	_ =	shalt  }
0x57: {  	_ =	shalt  }
0x58: {  	_ =	shalt  }
0x59: {  	_ =	shalt  }
0x5a: {  	_ =	shalt  }
0x5b: {  	_ =	shalt  }
0x5c: {  	_ =	shalt  }
0x5d: {  	_ =	shalt  }
0x5e: {  	_ =	shalt  }
0x5f: {  	_ =	shalt  }
0x60: {  	_ =	shalt  }
0x61: {  	_ =	shalt  }
0x62: {  	_ =	shalt  }
0x63: {  	_ =	shalt  }
0x64: {  	_ =	shalt  }
0x65: {  	_ =	shalt  }
0x66: {  	_ =	shalt  }
0x67: {  	_ =	shalt  }
0x68: {  	_ =	shalt  }
0x69: {  	_ =	shalt  }
0x6a: {  	_ =	shalt  }
0x6b: {  	_ =	shalt  }
0x6c: {  	_ =	shalt  }
0x6d: {  	_ =	shalt  }
0x6e: {  	_ =	shalt  }
0x6f: {  	_ =	shalt  }
0x70: {  	_ =	shalt  }
0x71: {  	_ =	shalt  }
0x72: {  	_ =	shalt  }
0x73: {  	_ =	shalt  }
0x74: {  	_ =	shalt  }
0x75: {  	_ =	shalt  }
0x76: {  	_ =	shalt  }
0x77: {  	_ =	shalt  }
0x78: {  	_ =	shalt  }
0x79: {  	_ =	shalt  }
0x7a: {  	_ =	shalt  }
0x7b: {  	_ =	shalt  }
0x7c: {  	_ =	shalt  }
0x7d: {  	_ =	shalt  }
0x7e: {  	_ =	shalt  }
0x7f: {  	_ =	shalt  }
0x80: {  	_ =	shalt  }
0x81: {  	_ =	shalt  }
0x82: {  	_ =	shalt  }
0x83: {  	_ =	shalt  }
0x84: {  	_ =	shalt  }
0x85: {  	_ =	shalt  }
0x86: {  	_ =	shalt  }
0x87: {  	_ =	shalt  }
.Lfunc_end0:
.L_simem_size_0:
called_computation_lowered:
.L_overlay_start_0:
0x88: {  	s2 =	sld [smem:$0x3FD9]  }
0x89: {  	s3 =	sld [smem:$0x3FFE];
	_ =	sdelay $0x1  }
0x8a: {  	s1 =	srdreg.scid  }
0x8b: {  	s0 =	sand.u32 $0x1, s1  }
0x8c: {  	s15 =	sshll.u32 s0, $0xA;
	s2 =	sadd.s32 s3, s2  }
0x8d: {  	s2 =	sadd.s32 s2, s15  }
0x8e: {  	[smem:$0x3FC5] =	sst s2  }
0x8f: {  	_ = 	snop  }
0x90: {  	s2 =	sld [smem:$0x3FD0]  }
0x91: {  	s16 =	sld [smem:$0x3FC9]  }
0x92: {  	s4 =	sld [smem:$0x3FC8]  }
0x93: {  	s6 =	simm.s32 $0xA;
	s7 =	simm.s32 $0x10;
	s5 =	sld [smem:$0x3FC7]  }
0x94: {  	[smem:s7], [sflag:s6] =	dma.local [hbm:s2], $0x1  }
0x95: {  	_ =	swait.eq [sflag:s6], $0x1  }
0x96: {  	[sflag:s6] =	ssyncset.done $0x0  }
0x97: {  	s17 =	sld [smem:$0x10];
	[sflag:s6] =	ssyncadd.s32 $0xFFFFFFFF  }
0x98: {  	s18 =	sld [smem:$0x11];
	(tm) =	ssettm $0x1  }
0x99: {  	s19 =	sld [smem:$0x3FFB];
	_ =	sdelay $0x3  }
0x9a: {  	_ =	strace s19  }
0x9b: {  	s7 =	sld [smem:$0x3FFC];
	_ =	sdelay $0x3  }
0x9c: {  	_ =	strace s7  }
0x9d: {  	s7 =	sld [smem:$0x3FFD];
	_ =	sdelay $0x3  }
0x9e: {  	_ =	strace s7  }
0x9f: {  	_ =	strace $0x8FFFFFFF  }
0xa0: {  	s20 =	sld [smem:$0x3FDB];
	_ =	sdelay $0x1  }
0xa1: {  	s8 =	simm.s32 $_scs_section_size  }
0xa2: {  	s9 =	simm.s32 $_size__tile_overlayer_lowered;
	s10 =	simm.s32 $_tile_overlayer_lowered  }
0xa3: {  	s23 =	simm.s32 $0x1BFF;
	s22 =	sshll.u32 s10, $0x1;
	s7 =	sadd.s32 s8, s20  }
0xa4: {  	s11 =	simm.s32 $0x0;
	s21 =	sshll.u32 s9, $0x1;
	s9 =	sadd.s32 s22, s7  }
0xa5: {  	[timem:s11], [sflag:s23] =	dma.local [hbm:s9], s21  }
0xa6: {  	_ =	swait.ge [sflag:s23], s21  }
0xa7: {  	s8 =	ssub.s32 $0x0, s21;
	[sflag:s23] =	ssyncset.done $0x0  }
0xa8: {  	[sflag:s23] =	ssyncadd.s32 s8;
	_ =	sdelay $0x1  }
0xa9: {  	s24 =	simm.s32 $0x1B8B  }
0xaa: {  	_ =	swait.ge [sflag:s24], $0x1  }
0xab: {  	[sflag:s24] =	ssyncset.done $0x0  }
0xac: {  	s25 =	simm.s32 $0x1B8E;
	[sflag:s24] =	ssyncadd.s32 $0xFFFFFFFF  }
0xad: {  	s26 =	simm.s32 $execute0_lowered;
	[smem:$0x3FD2] =	sst s25  }
0xae: {  	s8 =	sshll.u32 s26, $0x1;
	_ =	strace $0x80000046;
	[dreg:$0x1] =	wrdreg $0xFFFFFFFF  }
0xaf: {  	s28 =	simm.s32 $_size_execute0_lowered;
	s7 =	sadd.s32 s7, s8;
	[dreg:$0x0] =	wrdreg $0x0  }
0xb0: {  	s8 =	sshll.u32 s28, $0x1;
	[dreg:$0x2] =	wrdreg s7  }
0xb1: {  	[dreg:$0x3] =	wrdreg s8  }
0xb2: {  	[dreg:$0x4] =	wrdreg $0xC0  }
0xb3: {  	_ =	task [dreg:s11], $0x5FFFF  }
0xb4: {  	[dreg:$0x1] =	wrdreg $0xFFFFFFFF  }
0xb5: {  	[dreg:$0x0] =	wrdreg $0x60  }
0xb6: {  	[dreg:$0x2] =	wrdreg s16  }
0xb7: {  	[dreg:$0x3] =	wrdreg s4  }
0xb8: {  	[dreg:$0x4] =	wrdreg s5  }
0xb9: {  	[dreg:$0x5] =	wrdreg s17  }
0xba: {  	[dreg:$0x6] =	wrdreg s18  }
0xbb: {  	[dreg:$0x7] =	wrdreg $0x9  }
0xbc: {  	_ =	task.clear_ibuf [dreg:s11], $0x8FFFF;
	_ =	strace $0x90000046  }
0xbd: {  	s29 =	simm.s32 $0x9;
	_ =	strace $0x80000048  }
0xbe: {  	_ =	swait.ge [sflag:s29], $0x1  }
0xbf: {  	[sflag:s29] =	ssyncadd.s32 $0xFFFFFFFF  }
0xc0: {  	_ =	strace $0x90000048  }
0xc1: {  	_ =	sfence  }
0xc2: {  	s30 =	sld [smem:$0x0];
	_ =	sdelay $0x2  }
0xc3: {  	s31 =	sshll.u32 s1, $0xD;
	s1 =	sshrl.u32 s1, $0x2  }
0xc4: {  	s3 =	sand.u32 $0x4000, s31;
	s1 =	sadd.s32 s1, s30  }
0xc5: {  	s0 =	sor.u32 s3, s0;
	s1 =	sshll.u32 s1, $0x11  }
0xc6: {  	s0 =	sor.u32 s1, s0  }
0xc7: {  	s0 =	sadd.s32 $0x8F2B, s0  }
0xc8: {  	[sflag:s0] =	ssyncadd.remote.s32 $0x1  }
0xc9: {  	_ =	sfence.sel $0xFFFF  }
0xca: {  	[dreg:$0x0] =	wrdreg $0xFFFFFFFF;
	(pc) =	sbr.abs _section_cstart, $3  }
0xcb: {  	[dreg:$0x1] =	wrdreg $0xFFFFFFFF  }
0xcc: {  	_ =	task.clear_ibuf [dreg:s11], $0x2FFFF;
	_ =	strace $0x9FFFFFFF  }
0xcd: {  	(tm) =	ssettm $0x7FFFFFFF  }
tec
execute0_lowered:
.L_overlay_start_1:
0x0: {  	(tag) =	ssettag $0x1  }
0x1: {  	s6 =	rddreg [dreg:$0x0]  }
0x2: {  	s10 =	rddreg [dreg:$0x1]  }
0x3: {  	s12 =	rddreg [dreg:$0x2]  }
0x4: {  	s4 =	rddreg [dreg:$0x3]  }
0x5: {  	s5 =	rddreg [dreg:$0x4];
	s7 =	simm.s32 $0x0;
	s0 =	srdreg.scid  }
0x6: {  	s13 =	stileid.u32;
	[smem:$0x7FF] =	sst s7;
	s0 =	sand.u32 $0x1, s0  }
0x7: {  	s2 =	sshll.u32 s13, $0x2;
	s1 =	ssub.s32 $0x2, s0;
	s0 =	sshll.u32 s0, $0x1  }
0x8: {  	s26 =	sshll.u32 s13, $0xD;
	_ =	strace $0x80000047;
	s8 =	sor.u32 s0, s2  }
0x9: {  	s3 =	sshrl.u32 s1, $0x1;
	s0 =	sshll.u32 s8, $0x10;
	s9 =	sshll.u32 s8, $0x4  }
0xa: {  	s1 =	ssub.s32 s1, s3;
	s0 =	sadd.s32 s10, s0;
	s28 =	sor.u32 s26, s9  }
0xb: {  	s2 =	smax.u32 s1, $0x1;
	[dreg:$0x6] =	wrdreg s0;
	s0 =	sand.u32 $0x1C060, s28  }
0xc: {  	[dreg:$0x9] =	wrdreg s2;
	s30 =	sadd.s32 s12, s0;
	s0 =	sadd.s32 s6, s0  }
0xd: {  	[dreg:$0x8] =	wrdreg s0  }
0xe: {  	s6 =	sadd.s32 $0x100080, s30;
	[dreg:$0x7] =	wrdreg s30  }
0xf: {  	s10 =	sadd.s32 $0x100100, s30;
	[dreg:$0xa] =	wrdreg s6  }
0x10: {  	s12 =	sadd.s32 $0x80, s30;
	[dreg:$0xb] =	wrdreg s10  }
0x11: {  	s29 =	sshll.u32 s13, $0x10;
	s13 =	sadd.s32 $0x100180, s30;
	[dreg:$0xc] =	wrdreg s12  }
0x12: {  	s15 =	sadd.s32 $0x200080, s30;
	[dreg:$0xd] =	wrdreg s13  }
0x13: {  	s16 =	sadd.s32 $0x100, s30;
	[dreg:$0xe] =	wrdreg s15  }
0x14: {  	s17 =	sadd.s32 $0x200100, s30;
	[dreg:$0xf] =	wrdreg s16  }
0x15: {  	s18 =	sadd.s32 $0x200180, s30;
	[dreg:$0x10] =	wrdreg s17  }
0x16: {  	s19 =	sadd.s32 $0x200000, s30;
	[dreg:$0x11] =	wrdreg s18  }
0x17: {  	s20 =	sadd.s32 $0x300000, s30;
	[dreg:$0x12] =	wrdreg s19  }
0x18: {  	s21 =	sadd.s32 $0x300080, s30;
	[dreg:$0x13] =	wrdreg s20  }
0x19: {  	s22 =	sadd.s32 $0x180, s30;
	[dreg:$0x14] =	wrdreg s21  }
0x1a: {  	s23 =	sadd.s32 $0x300100, s30;
	[dreg:$0x15] =	wrdreg s22  }
0x1b: {  	s24 =	sadd.s32 $0x300180, s30;
	[dreg:$0x16] =	wrdreg s23  }
0x1c: {  	s25 =	sadd.s32 $0x100000, s30;
	[dreg:$0x17] =	wrdreg s24  }
0x1d: {  	s11 =	sand.u32 $0x1C000, s26;
	s26 =	sadd.s32 $0x400080, s30;
	[dreg:$0x18] =	wrdreg s25  }
0x1e: {  	s31 =	simm.s32 $0x1;
	s28 =	sadd.s32 $0x400100, s30;
	[dreg:$0x19] =	wrdreg s26  }
0x1f: {  	s14 =	sand.u32 $0xE0000, s29;
	s29 =	sadd.s32 $0x400000, s30;
	[dreg:$0x1a] =	wrdreg s28  }
0x20: {  	s2 =	simm.s32 $0x0;
	s30 =	sadd.s32 $0x400180, s30;
	[dreg:$0x1b] =	wrdreg s29  }
0x21: {  	s0 =	simm.s32 $0x12C80;
	[dreg:$0x1c] =	wrdreg s30;
	s18 =	simm.s32 $0x80  }
0x22: {  	s19 =	simm.s32 $0x100000;
	s23 =	simm.s32 $0x400;
	s6 =	simm.s32 $0x12F00  }
0x23: {  	v0 =	vimm.f32 $0.0e+00;
	s10 =	simm.s32 $0x12800;
	s13 =	simm.s32 $0x12A00;
	s12 =	simm.s32 $0x12400  }
0x24: {  	v1 =	vimm.s32 $0x0;
	vm0 =	vmxor vm0, vm0;
	v2 =	vlaneseq.u32;
	s17 =	simm.s32 $0x3;
	s20 =	simm.s32 $0x12600;
	s21 =	simm.s32 $0x2  }
.LBB2_1:
0x25: {  	[dreg:$0x1d] =	wrdreg s2  }
0x26: {  	[tilespmem:$0x12C80] =	vst v0;
	s1 =	rddreg [dreg:$0x6]  }
0x27: {  	[tilespmem:$0x12F00] =	vst v0;
	s30 =	simm.s32 $0x1000;
	s3 =	simm.s32 $0x20000;
	s15 =	simm.s32 $0x200  }
0x28: {  	[tilespmem:s15], [sflag:$0x1] =	stream.strided.gather [hbm4b:s1+s30], $0x4000, s3, s30, $0x38;
	[tilespmem:$0x13180] =	vst v63  }
0x29: {  	s3 =	rddreg [dreg:$0x7];
	s15 =	simm.s32 $0x4200  }
0x2a: {  	[tilespmem:s15], [sflag:$0x1] =	stream.strided.gather [hbm4b:s3+s18], $0x400, s19, s18, $0x38;
	[tilespmem:$0x13180] =	vst v63  }
0x2b: {  	s16 =	rddreg [dreg:$0xc];
	s22 =	simm.s32 $0x4600  }
0x2c: {  	[tilespmem:s22], [sflag:$0x1] =	stream.strided.gather [hbm4b:s16+s18], $0x400, s19, s18, $0x38;
	[tilespmem:$0x13180] =	vst v63  }
0x2d: {  	s24 =	rddreg [dreg:$0xf];
	s25 =	simm.s32 $0x4A00  }
0x2e: {  	[tilespmem:s25], [sflag:$0x1] =	stream.strided.gather [hbm4b:s24+s18], $0x400, s19, s18, $0x38;
	[tilespmem:$0x13180] =	vst v63  }
0x2f: {  	s26 =	rddreg [dreg:$0x15];
	s28 =	simm.s32 $0x4E00  }
0x30: {  	[tilespmem:s28], [sflag:$0x1] =	stream.strided.gather [hbm4b:s26+s18], $0x400, s19, s18, $0x38;
	[tilespmem:$0x13180] =	vst v63  }
0x31: {  	s29 =	rddreg [dreg:$0x18];
	s30 =	simm.s32 $0x5200  }
0x32: {  	[tilespmem:s30], [sflag:$0x1] =	stream.strided.gather [hbm4b:s29+s18], $0x400, s19, s18, $0x38;
	[tilespmem:$0x13180] =	vst v63  }
0x33: {  	s3 =	rddreg [dreg:$0xa];
	s15 =	simm.s32 $0x5600  }
0x34: {  	[tilespmem:s15], [sflag:$0x1] =	stream.strided.gather [hbm4b:s3+s18], $0x400, s19, s18, $0x38;
	[tilespmem:$0x13180] =	vst v63  }
0x35: {  	s16 =	rddreg [dreg:$0xb];
	s22 =	simm.s32 $0x5A00  }
0x36: {  	[tilespmem:s22], [sflag:$0x1] =	stream.strided.gather [hbm4b:s16+s18], $0x400, s19, s18, $0x38;
	[tilespmem:$0x13180] =	vst v63  }
0x37: {  	s24 =	rddreg [dreg:$0xd];
	s25 =	simm.s32 $0x5E00  }
0x38: {  	[tilespmem:s25], [sflag:$0x1] =	stream.strided.gather [hbm4b:s24+s18], $0x400, s19, s18, $0x38;
	[tilespmem:$0x13180] =	vst v63  }
0x39: {  	s26 =	rddreg [dreg:$0x12];
	s28 =	simm.s32 $0x6200  }
0x3a: {  	[tilespmem:s28], [sflag:$0x1] =	stream.strided.gather [hbm4b:s26+s18], $0x400, s19, s18, $0x38;
	[tilespmem:$0x13180] =	vst v63  }
0x3b: {  	s29 =	rddreg [dreg:$0xe];
	s30 =	simm.s32 $0x6600  }
0x3c: {  	[tilespmem:s30], [sflag:$0x1] =	stream.strided.gather [hbm4b:s29+s18], $0x400, s19, s18, $0x38;
	[tilespmem:$0x13180] =	vst v63  }
0x3d: {  	s3 =	rddreg [dreg:$0x10];
	s15 =	simm.s32 $0x6A00  }
0x3e: {  	[tilespmem:s15], [sflag:$0x1] =	stream.strided.gather [hbm4b:s3+s18], $0x400, s19, s18, $0x38;
	[tilespmem:$0x13180] =	vst v63  }
0x3f: {  	s16 =	rddreg [dreg:$0x11];
	s22 =	simm.s32 $0x6E00  }
0x40: {  	[tilespmem:s22], [sflag:$0x1] =	stream.strided.gather [hbm4b:s16+s18], $0x400, s19, s18, $0x38;
	[tilespmem:$0x13180] =	vst v63  }
0x41: {  	s24 =	rddreg [dreg:$0x13];
	s25 =	simm.s32 $0x7200  }
0x42: {  	[tilespmem:s25], [sflag:$0x1] =	stream.strided.gather [hbm4b:s24+s18], $0x400, s19, s18, $0x38;
	[tilespmem:$0x13180] =	vst v63  }
0x43: {  	s26 =	rddreg [dreg:$0x14];
	s28 =	simm.s32 $0x7600  }
0x44: {  	[tilespmem:s28], [sflag:$0x1] =	stream.strided.gather [hbm4b:s26+s18], $0x400, s19, s18, $0x38;
	[tilespmem:$0x13180] =	vst v63  }
0x45: {  	s29 =	rddreg [dreg:$0x16];
	s30 =	simm.s32 $0x7A00  }
0x46: {  	[tilespmem:s30], [sflag:$0x1] =	stream.strided.gather [hbm4b:s29+s18], $0x400, s19, s18, $0x38;
	[tilespmem:$0x13180] =	vst v63  }
0x47: {  	s2 =	rddreg [dreg:$0x17];
	s3 =	simm.s32 $0x7E00  }
0x48: {  	[tilespmem:s3], [sflag:$0x1] =	stream.strided.gather [hbm4b:s2+s18], $0x400, s19, s18, $0x38;
	[tilespmem:$0x13180] =	vst v63  }
0x49: {  	s15 =	rddreg [dreg:$0x1b];
	s16 =	simm.s32 $0x8200  }
0x4a: {  	[tilespmem:s16], [sflag:$0x1] =	stream.linear.gather [hbm4b:s15+s7], $0x80, $0x38;
	[tilespmem:$0x13180] =	vst v63  }
0x4b: {  	s22 =	rddreg [dreg:$0x19];
	s24 =	simm.s32 $0x8600  }
0x4c: {  	[tilespmem:s24], [sflag:$0x1] =	stream.linear.gather [hbm4b:s22+s7], $0x80, $0x38;
	[tilespmem:$0x13180] =	vst v63  }
0x4d: {  	s25 =	rddreg [dreg:$0x1a];
	s26 =	simm.s32 $0x8A00  }
0x4e: {  	[tilespmem:s26], [sflag:$0x1] =	stream.linear.gather [hbm4b:s25+s7], $0x80, $0x38;
	[tilespmem:$0x13180] =	vst v63  }
0x4f: {  	s28 =	rddreg [dreg:$0x1c];
	s29 =	simm.s32 $0x8E00  }
0x50: {  	[tilespmem:s29], [sflag:$0x1] =	stream.linear.gather [hbm4b:s28+s7], $0x80, $0x38;
	[tilespmem:$0x13180] =	vst v63  }
0x51: {  	s30 =	rddreg [dreg:$0x8];
	s22 =	simm.s32 $0x0  }
0x52: {  	[tilespmem:s7], [sflag:$0x1] =	stream.strided.gather [hbm4b:s30+s18], $0x200, s23, s18, $0x38;
	[tilespmem:$0x13180] =	vst v63  }
.LBB2_2:
0x53: {  	s1 =	sshrl.u32 s22, $0x4;
	s2 =	sshll.u32 s22, $0xD  }
0x54: {  	s15 =	rddreg [dreg:$0x1];
	s1 =	sor.u32 s8, s1;
	s2 =	sand.u32 $0x1E000, s2  }
0x55: {  	s3 =	sshll.u32 s1, $0x13;
	s2 =	sor.u32 $0x1000, s2;
	s1 =	sshll.u32 s1, $0x7  }
0x56: {  	s30 =	simm.s32 $0x1000;
	s3 =	sor.u32 s2, s3;
	s1 =	sand.u32 $0x380, s1  }
0x57: {  	s16 =	simm.s32 $0x20000;
	s3 =	sshrl.u32 s3, $0x3;
	s1 =	sor.u32 s1, s14  }
0x58: {  	s24 =	simm.s32 $0x9400;
	s3 =	sadd.s32 s15, s3;
	s1 =	sor.u32 s2, s1  }
0x59: {  	[tilespmem:s24], [sflag:$0x2] =	stream.strided.gather [hbm4b:s3+s30], $0x4000, s16, s30, $0x38;
	[tilespmem:$0x13180] =	vst v63  }
0x5a: {  	s15 =	rddreg [dreg:$0x2];
	s24 =	sshrl.u32 s1, $0x3  }
0x5b: {  	s16 =	simm.s32 $0xD400;
	s1 =	sadd.s32 s15, s24  }
0x5c: {  	[tilespmem:s16], [sflag:$0x2] =	stream.strided.gather [hbm4b:s1+s18], $0x400, s19, s18, $0x38;
	[tilespmem:$0x13180] =	vst v63  }
0x5d: {  	s26 =	simm.s32 $0xD800;
	s25 =	sadd.s32 $0x80, s1  }
0x5e: {  	[tilespmem:s26], [sflag:$0x2] =	stream.strided.gather [hbm4b:s25+s18], $0x400, s19, s18, $0x38;
	[tilespmem:$0x13180] =	vst v63  }
0x5f: {  	s30 =	simm.s32 $0xDC00;
	s29 =	sadd.s32 $0x100, s1  }
0x60: {  	[tilespmem:s30], [sflag:$0x2] =	stream.strided.gather [hbm4b:s29+s18], $0x400, s19, s18, $0x38;
	[tilespmem:$0x13180] =	vst v63  }
0x61: {  	s15 =	simm.s32 $0xE000;
	s3 =	sadd.s32 $0x180, s1  }
0x62: {  	[tilespmem:s15], [sflag:$0x2] =	stream.strided.gather [hbm4b:s3+s18], $0x400, s19, s18, $0x38;
	[tilespmem:$0x13180] =	vst v63  }
0x63: {  	s2 =	sadd.s32 $0x100000, s1;
	s16 =	simm.s32 $0xE400  }
0x64: {  	[tilespmem:s16], [sflag:$0x2] =	stream.strided.gather [hbm4b:s2+s18], $0x400, s19, s18, $0x38;
	[tilespmem:$0x13180] =	vst v63  }
0x65: {  	s25 =	sadd.s32 $0x80, s2;
	s26 =	simm.s32 $0xE800  }
0x66: {  	[tilespmem:s26], [sflag:$0x2] =	stream.strided.gather [hbm4b:s25+s18], $0x400, s19, s18, $0x38;
	[tilespmem:$0x13180] =	vst v63  }
0x67: {  	s29 =	sadd.s32 $0x100, s2;
	s30 =	simm.s32 $0xEC00  }
0x68: {  	[tilespmem:s30], [sflag:$0x2] =	stream.strided.gather [hbm4b:s29+s18], $0x400, s19, s18, $0x38;
	[tilespmem:$0x13180] =	vst v63  }
0x69: {  	s15 =	simm.s32 $0xF000;
	s2 =	sadd.s32 $0x180, s2  }
0x6a: {  	[tilespmem:s15], [sflag:$0x2] =	stream.strided.gather [hbm4b:s2+s18], $0x400, s19, s18, $0x38;
	[tilespmem:$0x13180] =	vst v63  }
0x6b: {  	s16 =	simm.s32 $0xF400;
	s2 =	sadd.s32 $0x200000, s1  }
0x6c: {  	[tilespmem:s16], [sflag:$0x2] =	stream.strided.gather [hbm4b:s2+s18], $0x400, s19, s18, $0x38;
	[tilespmem:$0x13180] =	vst v63  }
0x6d: {  	s26 =	simm.s32 $0xF800;
	s25 =	sadd.s32 $0x80, s2  }
0x6e: {  	[tilespmem:s26], [sflag:$0x2] =	stream.strided.gather [hbm4b:s25+s18], $0x400, s19, s18, $0x38;
	[tilespmem:$0x13180] =	vst v63  }
0x6f: {  	s30 =	simm.s32 $0xFC00;
	s29 =	sadd.s32 $0x100, s2  }
0x70: {  	[tilespmem:s30], [sflag:$0x2] =	stream.strided.gather [hbm4b:s29+s18], $0x400, s19, s18, $0x38;
	[tilespmem:$0x13180] =	vst v63  }
0x71: {  	s2 =	sadd.s32 $0x180, s2;
	s16 =	simm.s32 $0x10000  }
0x72: {  	[tilespmem:s16], [sflag:$0x2] =	stream.strided.gather [hbm4b:s2+s18], $0x400, s19, s18, $0x38;
	[tilespmem:$0x13180] =	vst v63  }
0x73: {  	s25 =	sadd.s32 $0x300000, s1;
	s26 =	simm.s32 $0x10400  }
0x74: {  	[tilespmem:s26], [sflag:$0x2] =	stream.strided.gather [hbm4b:s25+s18], $0x400, s19, s18, $0x38;
	[tilespmem:$0x13180] =	vst v63  }
0x75: {  	s29 =	sadd.s32 $0x80, s25;
	s30 =	simm.s32 $0x10800  }
0x76: {  	[tilespmem:s30], [sflag:$0x2] =	stream.strided.gather [hbm4b:s29+s18], $0x400, s19, s18, $0x38;
	[tilespmem:$0x13180] =	vst v63  }
0x77: {  	s15 =	sadd.s32 $0x100, s25;
	s16 =	simm.s32 $0x10C00  }
0x78: {  	[tilespmem:s16], [sflag:$0x2] =	stream.strided.gather [hbm4b:s15+s18], $0x400, s19, s18, $0x38;
	[tilespmem:$0x13180] =	vst v63  }
0x79: {  	s2 =	sadd.s32 $0x180, s25;
	s25 =	simm.s32 $0x11000  }
0x7a: {  	[tilespmem:s25], [sflag:$0x2] =	stream.strided.gather [hbm4b:s2+s18], $0x400, s19, s18, $0x38;
	[tilespmem:$0x13180] =	vst v63  }
0x7b: {  	s1 =	sadd.s32 $0x400000, s1;
	s26 =	simm.s32 $0x11400;
	s25 =	simm.s32 $0x0  }
0x7c: {  	[tilespmem:s26], [sflag:$0x2] =	stream.linear.gather [hbm4b:s1+s25], $0x80, $0x38;
	[tilespmem:$0x13180] =	vst v63  }
0x7d: {  	s29 =	sadd.s32 $0x80, s1;
	s30 =	simm.s32 $0x11800  }
0x7e: {  	[tilespmem:s30], [sflag:$0x2] =	stream.linear.gather [hbm4b:s29+s25], $0x80, $0x38;
	[tilespmem:$0x13180] =	vst v63  }
0x7f: {  	s15 =	sadd.s32 $0x100, s1;
	s16 =	simm.s32 $0x11C00  }
0x80: {  	[tilespmem:s16], [sflag:$0x2] =	stream.linear.gather [hbm4b:s15+s25], $0x80, $0x38;
	[tilespmem:$0x13180] =	vst v63  }
0x81: {  	s1 =	sadd.s32 $0x180, s1;
	s26 =	simm.s32 $0x12000;
	s29 =	rddreg [dreg:$0x0]  }
0x82: {  	[tilespmem:s26], [sflag:$0x2] =	stream.linear.gather [hbm4b:s1+s25], $0x80, $0x38;
	[tilespmem:$0x13180] =	vst v63  }
0x83: {  	s30 =	simm.s32 $0x9200;
	s1 =	sadd.s32 s29, s24  }
0x84: {  	[tilespmem:s30], [sflag:$0x2] =	stream.strided.gather [hbm4b:s1+s18], $0x200, s23, s18, $0x38;
	[tilespmem:$0x13180] =	vst v63  }
0x85: {  	_ =	swait.ge [sflag:s31], $0x4000  }
0x86: {  	[sflag:s31] =	ssyncset.done $0x0  }
0x87: {  	[sflag:s31] =	ssyncadd.s32 $0xFFFFC000  }
0x88: {  	_ =	swait.ge [sflag:s31], $0x4200  }
0x89: {  	[sflag:s31] =	ssyncset.done $0x0  }
0x8a: {  	[sflag:s31] =	ssyncadd.s32 $0xFFFFBE00  }
0x8b: {  	_ =	swait.ge [sflag:s31], $0x200  }
0x8c: {  	[sflag:s31] =	ssyncset.done $0x0  }
0x8d: {  	s28 =	simm.s32 $0x0;
	s26 =	simm.s32 $0x0;
	[sflag:s31] =	ssyncadd.s32 $0xFFFFFE00  }
.LBB2_3:
0x8e: {  	s1 =	sand.u32 $0x7, s25  }
0x8f: {  	s2 =	sand.u32 $0xFFFFF000, s26;
	s1 =	sshll.u32 s1, $0x6  }
0x90: {  	s1 =	sor.u32 s1, s2  }
0x91: {  	s2 =	sshrl.u32 s1, $0x2  }
0x92: {  	s1 =	sadd.s32 $0x400, s2  }
0x93: {  	v3 =	vld [tilespmem:s1+$0xFFFFFE00]  }
0x94: {  	v4 =	vld [tilespmem:s1+$0xFFFFFE80];
	_ =	sdelay $0x1  }
0x95: {  	v5 =	vld [tilespmem:s1+$0xFFFFFF00];
	_ =	sdelay $0x1  }
0x96: {  	v3 =	vmul.f32 $1.442695020e+00, v3  }
0x97: {  	v6 =	vld [tilespmem:s1+$0xFFFFFF80];
	v4 =	vmul.f32 $1.442695020e+00, v4  }
0x98: {  	(erf) = vpow2.f32 v3  }
0x99: {  	v5 =	vmul.f32 $1.442695020e+00, v5;
	v3 =	vld [tilespmem:s1+$0x0];
	(erf) = vpow2.f32 v4  }
0x9a: {  	v4 =	vld [tilespmem:s1+$0x80]  }
0x9b: {  	(erf) = vpow2.f32 v5;
	v5 =	vld [tilespmem:s1+$0x100]  }
0x9c: {  	v6 =	vmul.f32 $1.442695020e+00, v6;
	_ =	sdelay $0x1  }
0x9d: {  	(erf) = vpow2.f32 v6;
	v3 =	vmul.f32 $1.442695020e+00, v3  }
0x9e: {  	v6 =	vld [tilespmem:s1+$0x180];
	v4 =	vmul.f32 $1.442695020e+00, v4  }
0x9f: {  	(erf) = vpow2.f32 v3;
	v5 =	vmul.f32 $1.442695020e+00, v5  }
0xa0: {  	s30 =	sadd.s32 $0x1000, s1;
	v3 =	vimm.f32 $0.0e+00;
	v7 =	vpop (erf);
	(erf) = vpow2.f32 v4  }
0xa1: {  	v3 =	vadd.f32 v7, v3;
	v8 =	vpop (erf);
	(erf) = vpow2.f32 v5;
	v5 =	vld [tilespmem:s30+$0xFFFFFE00];
	_ =	sdelay $0x1  }
0xa2: {  	v10 =	vld [tilespmem:s30+$0xFFFFFE80];
	v6 =	vmul.f32 $1.442695020e+00, v6;
	v3 =	vadd.f32 v8, v3  }
0xa3: {  	v9 =	vpop (erf)  }
0xa4: {  	(erf) = vpow2.f32 v6;
	v6 =	vld [tilespmem:s30+$0xFFFFFF00];
	v3 =	vadd.f32 v9, v3  }
0xa5: {  	v11 =	vpop (erf);
	v5 =	vmul.f32 $1.442695020e+00, v5  }
0xa6: {  	s29 =	sshll.u32 s28, $0x4;
	v12 =	vld [tilespmem:s30+$0xFFFFFF80];
	s1 =	simm.s32 $0x12840;
	v3 =	vadd.f32 v11, v3  }
0xa7: {  	v4 =	vld [tilespmem:s29+$0x0];
	[tilespmem:s1+$0xFFFFFFD0] =	vst v8;
	v8 =	vmul.f32 $1.442695020e+00, v10;
	v13 =	vpop (erf);
	(erf) = vpow2.f32 v5  }
0xa8: {  	[tilespmem:s1+$0xFFFFFFC0] =	vst v7;
	v7 =	vld [tilespmem:s30+$0x0];
	v3 =	vadd.f32 v13, v3  }
0xa9: {  	v5 =	vmul.f32 $1.442695020e+00, v6;
	v62 =	vpop (erf);
	(erf) = vpow2.f32 v8  }
0xaa: {  	v61 =	vld [tilespmem:s30+$0x80];
	[tilespmem:s1+$0xFFFFFFE0] =	vst v9;
	v3 =	vadd.f32 v62, v3  }
0xab: {  	[tilespmem:s1+$0xFFFFFFF0] =	vst v11;
	v6 =	vmul.f32 $1.442695020e+00, v12;
	v8 =	vpop (erf);
	(erf) = vpow2.f32 v5  }
0xac: {  	[tilespmem:s1+$0x0] =	vst v13;
	v63 =	vadd.f32 v8, v3;
	v3 =	vld [tilespmem:s30+$0x100]  }
0xad: {  	s3 =	sshll.u32 s28, $0x9;
	v7 =	vmul.f32 $1.442695020e+00, v7;
	[tilespmem:s1+$0x10] =	vst v62;
	(erf) = vpow2.f32 v6  }
0xae: {  	s3 =	sand.u32 $0x7FFFF000, s3;
	s16 =	sadd.s32 $0x5200, s2;
	v5 =	vld [tilespmem:s30+$0x180];
	[tilespmem:s1+$0x20] =	vst v8;
	v8 =	vpop (erf)  }
0xaf: {  	s15 =	simm.s32 $0x8;
	s2 =	sand.u32 $0x70, s29;
	v6 =	vmul.f32 $1.442695020e+00, v61;
	(erf) = vpow2.f32 v7;
	s30 =	sadd.s32 $0x1000, s30;
	[tilespmem:s1+$0x30] =	vst v8;
	v7 =	vadd.f32 v8, v63  }
.LBB2_4:
0xb0: {  	v8 =	vld [tilespmem:s30+$0xFFFFFE00];
	s15 =	sadd.s32 $0x8, s15;
	v9 =	vpop (erf);
	s1 =	sadd.s32 $0x80, s1  }
0xb1: {  	p0 =	slt.u32 s15, $0x18;
	[tilespmem:s1+$0xFFFFFFC0] =	vst v9;
	v7 =	vadd.f32 v9, v7;
	v3 =	vmul.f32 $1.442695020e+00, v3;
	(erf) = vpow2.f32 v6  }
0xb2: {  	v6 =	vld [tilespmem:s30+$0xFFFFFE80];
	v9 =	vpop (erf)  }
0xb3: {  	[tilespmem:s1+$0xFFFFFFD0] =	vst v9;
	v7 =	vadd.f32 v9, v7;
	v5 =	vmul.f32 $1.442695020e+00, v5;
	(erf) = vpow2.f32 v3  }
0xb4: {  	v3 =	vld [tilespmem:s30+$0xFFFFFF00];
	v9 =	vpop (erf)  }
0xb5: {  	v8 =	vmul.f32 $1.442695020e+00, v8;
	[tilespmem:s1+$0xFFFFFFE0] =	vst v9;
	v7 =	vadd.f32 v9, v7;
	(erf) = vpow2.f32 v5  }
0xb6: {  	v5 =	vld [tilespmem:s30+$0xFFFFFF80];
	v9 =	vpop (erf)  }
0xb7: {  	v6 =	vmul.f32 $1.442695020e+00, v6;
	(erf) = vpow2.f32 v8;
	[tilespmem:s1+$0xFFFFFFF0] =	vst v9;
	v7 =	vadd.f32 v9, v7  }
0xb8: {  	v8 =	vld [tilespmem:s30+$0x0];
	v9 =	vpop (erf)  }
0xb9: {  	v3 =	vmul.f32 $1.442695020e+00, v3;
	(erf) = vpow2.f32 v6;
	[tilespmem:s1+$0x0] =	vst v9;
	v6 =	vadd.f32 v9, v7  }
0xba: {  	v7 =	vld [tilespmem:s30+$0x80];
	v9 =	vpop (erf)  }
.Ltmp0:
0xbb: {  	v5 =	vmul.f32 $1.442695020e+00, v5;
	(erf) = vpow2.f32 v3;
	[tilespmem:s1+$0x10] =	vst v9;
	v6 =	vadd.f32 v9, v6;
	(pc) =	sbr.rel @p0 .LBB2_4-.Ltmp0, $4  }
0xbc: {  	v3 =	vld [tilespmem:s30+$0x100];
	v9 =	vpop (erf)  }
0xbd: {  	v8 =	vmul.f32 $1.442695020e+00, v8;
	(erf) = vpow2.f32 v5;
	[tilespmem:s1+$0x20] =	vst v9;
	v9 =	vadd.f32 v9, v6  }
0xbe: {  	v5 =	vld [tilespmem:s30+$0x180];
	v10 =	vpop (erf)  }
0xbf: {  	s30 =	sadd.s32 $0x1000, s30;
	v6 =	vmul.f32 $1.442695020e+00, v7;
	(erf) = vpow2.f32 v8;
	[tilespmem:s1+$0x30] =	vst v10;
	v7 =	vadd.f32 v10, v9  }
0xc0: {  	_ = 	snop  }
0xc1: {  	v3 =	vmul.f32 $1.442695020e+00, v3;
	_ =	sdelay $0x2  }
0xc2: {  	(erf) = vpow2.f32 v6;
	v5 =	vmul.f32 $1.442695020e+00, v5  }
0xc3: {  	(erf) = vpow2.f32 v3;
	v3 =	vpop (erf)  }
0xc4: {  	(erf) = vpow2.f32 v5;
	v5 =	vadd.f32 v3, v7;
	_ =	sdelay $0x1  }
0xc5: {  	s1 =	sadd.s32 $0x80, s1;
	v6 =	vpop (erf)  }
0xc6: {  	[tilespmem:s1+$0xFFFFFFC0] =	vst v3;
	v3 =	vadd.f32 v6, v5  }
0xc7: {  	[tilespmem:s1+$0xFFFFFFD0] =	vst v6;
	v5 =	vpop (erf)  }
0xc8: {  	[tilespmem:s1+$0xFFFFFFE0] =	vst v5;
	v3 =	vadd.f32 v5, v3;
	v5 =	vpop (erf)  }
0xc9: {  	[tilespmem:s1+$0xFFFFFFF0] =	vst v5;
	v6 =	vpop (erf)  }
0xca: {  	v3 =	vadd.f32 v5, v3;
	[tilespmem:s1+$0x0] =	vst v6;
	v5 =	vpop (erf)  }
0xcb: {  	[tilespmem:s1+$0x10] =	vst v5;
	v7 =	vpop (erf)  }
0xcc: {  	s3 =	sshrl.u32 s3, $0x2;
	v3 =	vadd.f32 v6, v3;
	[tilespmem:s1+$0x20] =	vst v7;
	v6 =	vpop (erf)  }
0xcd: {  	s15 =	sadd.s32 s2, s3;
	[tilespmem:s1+$0x30] =	vst v6  }
0xce: {  	v3 =	vadd.f32 v5, v3;
	v5 =	vld [tilespmem:s15+$0x4200];
	_ =	sdelay $0x1  }
0xcf: {  	v3 =	vadd.f32 v7, v3;
	_ =	sdelay $0x1  }
0xd0: {  	v3 =	vadd.f32 v6, v3  }
0xd1: {  	v5 =	vmul.f32 $1.442695020e+00, v5  }
0xd2: {  	(erf) = vrcp.f32 v3  }
0xd3: {  	(erf) = vpow2.f32 v5;
	_ =	sdelay $0x7  }
0xd4: {  	v3 =	vpop (erf)  }
0xd5: {  	v6 =	vpop (erf)  }
0xd6: {  	[tilespmem:$0x12A00] =	vst v6  }
0xd7: {  	v5 =	vld [tilespmem:s16+$0xFFFFF080]  }
0xd8: {  	v7 =	vld [tilespmem:s16+$0x200];
	_ =	sdelay $0x1  }
0xd9: {  	v8 =	vld [tilespmem:s16+$0x300]  }
0xda: {  	v9 =	vld [tilespmem:s16+$0xFFFFF180]  }
0xdb: {  	v10 =	vld [tilespmem:s16+$0x380];
	v5 =	vmul.f32 $1.442695020e+00, v5  }
0xdc: {  	v11 =	vld [tilespmem:s16+$0x1000];
	v7 =	vmul.f32 $1.442695020e+00, v7  }
0xdd: {  	v12 =	vld [tilespmem:s16+$0xFFFFF200];
	(erf) = vpow2.f32 v5  }
0xde: {  	v5 =	vmul.f32 $1.442695020e+00, v8;
	(erf) = vpow2.f32 v7;
	v7 =	vld [tilespmem:s16+$0xFFFFF280]  }
0xdf: {  	v13 =	vld [tilespmem:s16+$0x0]  }
0xe0: {  	v8 =	vmul.f32 $1.442695020e+00, v9;
	(erf) = vpow2.f32 v5;
	v5 =	vld [tilespmem:s16+$0xFFFFF100]  }
0xe1: {  	v11 =	vmul.f32 $1.442695020e+00, v11;
	v9 =	vmul.f32 $1.442695020e+00, v10;
	v10 =	vld [tilespmem:s16+$0xFFFFF380]  }
0xe2: {  	v12 =	vmul.f32 $1.442695020e+00, v12;
	(erf) = vpow2.f32 v8  }
0xe3: {  	v8 =	vld [tilespmem:s16+$0x180];
	(erf) = vpow2.f32 v9;
	v7 =	vmul.f32 $1.442695020e+00, v7  }
0xe4: {  	v9 =	vmul.f32 $1.442695020e+00, v13;
	v13 =	vld [tilespmem:s16+$0xFFFFF300];
	(erf) = vpow2.f32 v11  }
0xe5: {  	v11 =	vld [tilespmem:s16+$0x80];
	(erf) = vpow2.f32 v12;
	v5 =	vmul.f32 $1.442695020e+00, v5  }
0xe6: {  	v12 =	vld [tilespmem:s16+$0x100];
	(erf) = vpow2.f32 v9;
	v9 =	vmul.f32 $1.442695020e+00, v10  }
0xe7: {  	s30 =	simm.s32 $0x12A80;
	(erf) = vpow2.f32 v7;
	v7 =	vpop (erf)  }
0xe8: {  	s1 =	simm.s32 $0x12880;
	v10 =	vmul.f32 $1.442695020e+00, v8;
	(erf) = vpow2.f32 v5;
	[tilespmem:s30+$0xFFFFFF90] =	vst v7  }
0xe9: {  	v8 =	vpop (erf);
	(erf) = vpow2.f32 v9;
	v14 =	vld [tilespmem:s1+$0xFFFFFF80]  }
0xea: {  	v5 =	vmul.f32 $1.442695020e+00, v11;
	v9 =	vpop (erf);
	(erf) = vpow2.f32 v10  }
0xeb: {  	v11 =	vmul.f32 $1.442695020e+00, v12;
	v12 =	vmul.f32 $1.442695020e+00, v13;
	v15 =	vpop (erf)  }
0xec: {  	v13 =	vld [tilespmem:s16+$0x280];
	(erf) = vpow2.f32 v5;
	v5 =	vmul.f32 $9.679999940e-01, v3;
	v10 =	vpop (erf)  }
0xed: {  	[tilespmem:s30+$0x40] =	vst v8;
	(erf) = vpow2.f32 v11;
	v3 =	vpop (erf)  }
0xee: {  	v11 =	vmax.f32 v4, $-3.000000000e+00;
	[tilespmem:s30+$0xFFFFFFB0] =	vst v15;
	(erf) = vpow2.f32 v12;
	v12 =	vld [tilespmem:s1+$0x30];
	v16 =	vpop (erf);
	v14 =	vmul.f32 v14, v5  }
0xef: {  	v11 =	vmin.f32 v11, $3.000000000e+00;
	v18 =	vld [tilespmem:s1+$0xFFFFFFA0];
	v17 =	vpop (erf);
	[tilespmem:s30+$0xFFFFFFC0] =	vst v16  }
0xf0: {  	v11 =	vadd.f32 $3.000000000e+00, v11;
	v19 =	vpop (erf);
	[tilespmem:s30+$0x0] =	vst v17;
	v21 =	vadd.f32 $1.000000050e-03, v14;
	v14 =	vld [tilespmem:s1+$0xFFFFFFB0]  }
0xf1: {  	v23 =	vimm.f32 $0.0e+00;
	v20 =	vadd.f32 v7, v6;
	[tilespmem:s30+$0x60] =	vst v9;
	v13 =	vmul.f32 $1.442695020e+00, v13;
	v22 =	vpop (erf);
	v24 =	vld [tilespmem:s1+$0xFFFFFFF0]  }
0xf2: {  	v29 =	vadd.f32 v16, v15;
	v6 =	vmul.f32 $1.666666720e-01, v11;
	v30 =	vadd.f32 v19, v16;
	v16 =	vld [tilespmem:s1+$0x50];
	[tilespmem:s30+$0xFFFFFFA0] =	vst v22;
	v25 =	vpop (erf)  }
0xf3: {  	v26 =	vimm.s32 $0x0;
	(erf) = vpow2.f32 v13;
	v12 =	vmul.f32 v12, v5;
	v27 =	vld [tilespmem:s1+$0xFFFFFF90];
	v28 =	vpop (erf);
	[tilespmem:s30+$0xFFFFFFF0] =	vst v25  }
0xf4: {  	v31 =	vadd.f32 v22, v7;
	v22 =	vadd.f32 v15, v22;
	v18 =	vmul.f32 v18, v5;
	[tilespmem:s30+$0x30] =	vst v28;
	v38 =	vld [tilespmem:s1+$0xFFFFFFE0]  }
0xf5: {  	[tilespmem:s30+$0xFFFFFFD0] =	vst v19;
	v20 =	vmul.f32 v21, v20;
	v33 =	vadd.f32 v17, v25;
	v21 =	vadd.f32 v21, v23;
	v7 =	vpop (erf);
	v32 =	vld [tilespmem:s1+$0x20]  }
0xf6: {  	v11 =	vadd.f32 v8, v28;
	v34 =	vpop (erf);
	[tilespmem:s30+$0x10] =	vst v7;
	v36 =	vmul.f32 v14, v5;
	v14 =	vadd.f32 v7, v17;
	v17 =	vld [tilespmem:s1+$0xFFFFFFC0]  }
0xf7: {  	[tilespmem:s30+$0x70] =	vst v10;
	v18 =	vadd.f32 $1.000000050e-03, v18;
	v20 =	vadd.f32 v20, v23;
	vm1 =	vge.f32 v6, v21;
	v37 =	vpop (erf);
	v23 =	vld [tilespmem:s1+$0x0]  }
0xf8: {  	v35 =	vld [tilespmem:s1+$0x60];
	v15 =	vadd.f32 v34, v7;
	v24 =	vmul.f32 v24, v5;
	v13 =	vadd.f32 v28, v34;
	[tilespmem:s30+$0xFFFFFFE0] =	vst v37  }
0xf9: {  	v7 =	vadd.f32 v10, v9;
	[tilespmem:s30+$0x20] =	vst v34;
	v28 =	vadd.f32 v37, v19;
	v19 =	vmul.f32 v27, v5;
	v27 =	vld [tilespmem:s1+$0xFFFFFFD0]  }
0xfa: {  	v57 =	vmul.f32 v16, v5;
	v39 =	vmul.f32 v18, v22;
	v25 =	vadd.f32 v25, v37;
	v61 =	vld [tilespmem:s1+$0x10]  }
0xfb: {  	v59 =	vmul.f32 v38, v5;
	v16 =	vmul.f32 v32, v5;
	v58 =	vadd.f32 $1.000000050e-03, v19  }
0xfc: {  	v36 =	vadd.f32 $1.000000050e-03, v36;
	v17 =	vmul.f32 v17, v5;
	v23 =	vmul.f32 v23, v5  }
0xfd: {  	v19 =	vmul.f32 v35, v5;
	v60 =	vadd.f32 v58, v21;
	v31 =	vmul.f32 v58, v31  }
0xfe: {  	s2 =	simm.s32 $0x12D00;
	[tilespmem:s30+$0x80] =	vst v3;
	v17 =	vadd.f32 $1.000000050e-03, v17;
	v27 =	vmul.f32 v27, v5;
	v22 =	vadd.f32 $1.000000050e-03, v23  }
0xff: {  	s3 =	simm.s32 $0x12F80;
	[tilespmem:s2+$0xFFFFFF90] =	vst v21;
	v23 =	vmul.f32 v36, v29;
	v29 =	vmul.f32 v61, v5;
	v18 =	vadd.f32 v18, v60  }
0x100: {  	[tilespmem:s3+$0xFFFFFF90] =	vst v20;
	v31 =	vadd.f32 v31, v20;
	vm2 =	vge.f32 v6, v60;
	v20 =	vsel vm1, $0x1, v1  }
0x101: {  	[tilespmem:s2+$0xFFFFFFA0] =	vst v60;
	v62 =	vsel vm2, $0x1, v1;
	v20 =	vadd.s32 v20, v26;
	v26 =	vadd.f32 v36, v18  }
0x102: {  	v21 =	vpop (erf);
	v27 =	vadd.f32 $1.000000050e-03, v27;
	v30 =	vmul.f32 v17, v30;
	[tilespmem:s3+$0xFFFFFFA0] =	vst v31;
	v31 =	vadd.f32 v39, v31  }
0x103: {  	[tilespmem:s30+$0x50] =	vst v21;
	vm1 =	vge.f32 v6, v18;
	v20 =	vadd.s32 v62, v20;
	v17 =	vadd.f32 v17, v26  }
0x104: {  	[tilespmem:s2+$0xFFFFFFB0] =	vst v18;
	v18 =	vsel vm1, $0x1, v1;
	v28 =	vmul.f32 v27, v28;
	vm1 =	vge.f32 v6, v26  }
0x105: {  	[tilespmem:s2+$0xFFFFFFC0] =	vst v26;
	v26 =	vadd.f32 $1.000000050e-03, v24;
	v24 =	vld [tilespmem:s1+$0x40];
	v23 =	vadd.f32 v23, v31;
	vm2 =	vge.f32 v6, v17  }
0x106: {  	v27 =	vadd.f32 v27, v17;
	[tilespmem:s2+$0xFFFFFFD0] =	vst v17;
	v17 =	vadd.s32 v18, v20;
	v18 =	vsel vm1, $0x1, v1  }
0x107: {  	v34 =	vadd.f32 $1.000000050e-03, v59;
	[tilespmem:s3+$0xFFFFFFB0] =	vst v31;
	v20 =	vsel vm2, $0x1, v1;
	v17 =	vadd.s32 v18, v17  }
0x108: {  	[tilespmem:s3+$0xFFFFFFC0] =	vst v23;
	v18 =	vadd.f32 v30, v23;
	v23 =	vadd.f32 $1.000000050e-03, v29;
	v29 =	vadd.s32 v20, v17;
	v20 =	vld [tilespmem:s1+$0x70]  }
0x109: {  	v63 =	vmul.f32 v34, v25;
	[tilespmem:s2+$0xFFFFFFE0] =	vst v27;
	vm1 =	vge.f32 v6, v27;
	v27 =	vadd.f32 v34, v27  }
0x10a: {  	v25 =	vmul.f32 v26, v33;
	[tilespmem:s3+$0xFFFFFFD0] =	vst v18;
	v18 =	vadd.f32 v28, v18;
	v24 =	vmul.f32 v24, v5  }
0x10b: {  	p0 =	por $0x1, $0x1;
	v28 =	vsel vm1, $0x1, v1;
	[tilespmem:s2+$0xFFFFFFF0] =	vst v27;
	vm1 =	vge.f32 v6, v27;
	v17 =	vadd.f32 v26, v27  }
0x10c: {  	p0 =	por p0, p0;
	s15 =	simm.s32 $0x1;
	s16 =	sadd.s32 $0x2000, s16;
	v27 =	vadd.s32 v28, v29;
	[tilespmem:s3+$0xFFFFFFE0] =	vst v18;
	v26 =	vadd.f32 v63, v18;
	v18 =	vadd.f32 $1.000000050e-03, v57  }
.LBB2_6:
0x10d: {  	s15 =	sadd.s32 $0x10, s15;
	v28 =	vld [tilespmem:s16+$0xFFFFF080];
	v29 =	vsel vm1, $0x1, v1;
	v30 =	vadd.f32 $1.000000050e-03, v12;
	v31 =	vmul.f32 v20, v5  }
0x10e: {  	v12 =	vadd.f32 $1.000000050e-03, v19;
	v32 =	vld [tilespmem:s16+$0x380];
	p1 =	slt.u32 s15, $0x11;
	[tilespmem:s3+$0xFFFFFFF0] =	vst v26;
	v20 =	vadd.s32 v29, v27;
	v25 =	vadd.f32 v25, v26  }
0x10f: {  	v8 =	vadd.f32 v21, v8;
	v27 =	vmul.f32 v23, v15;
	v29 =	vadd.f32 v9, v21;
	v26 =	vld [tilespmem:s16+$0x300];
	[tilespmem:s2+$0x0] =	vst v17  }
0x110: {  	v19 =	vadd.f32 v3, v10;
	v15 =	vadd.f32 $1.000000050e-03, v31;
	v9 =	vld [tilespmem:s16+$0x280];
	[tilespmem:s3+$0x0] =	vst v25  }
0x111: {  	v10 =	vld [tilespmem:s16+$0x200]  }
0x112: {  	vm3 =	vmmov vm0;
	v31 =	vadd.f32 v22, v17;
	v21 =	vmul.f32 $1.442695020e+00, v28;
	v28 =	vld [tilespmem:s16+$0xFFFFF200]  }
0x113: {  	v24 =	vadd.f32 $1.000000050e-03, v24;
	vm3 =	vmneg @p0 vm3;
	v22 =	vmul.f32 v22, v14;
	p0 =	por p1, p1;
	v33 =	vld [tilespmem:s16+$0x100]  }
0x114: {  	v16 =	vadd.f32 $1.000000050e-03, v16;
	v23 =	vadd.f32 v23, v31;
	v34 =	vld [tilespmem:s16+$0x0];
	(erf) = vpow2.f32 v21;
	[tilespmem:s2+$0x10] =	vst v31  }
0x115: {  	v35 =	vld [tilespmem:s16+$0x180];
	v14 =	vmul.f32 $1.442695020e+00, v9;
	v9 =	vadd.f32 v22, v25;
	v22 =	vmul.f32 v24, v8  }
0x116: {  	v21 =	vmul.f32 $1.442695020e+00, v26;
	v25 =	vadd.f32 v16, v23;
	v8 =	vld [tilespmem:s16+$0xFFFFF180];
	v10 =	vmul.f32 $1.442695020e+00, v10;
	[tilespmem:s2+$0x20] =	vst v23  }
0x117: {  	v13 =	vmul.f32 v16, v13;
	vm2 =	vge.f32 v6, v31;
	v26 =	vld [tilespmem:s16+$0xFFFFF300];
	[tilespmem:s3+$0x10] =	vst v9;
	v9 =	vadd.f32 v27, v9  }
0x118: {  	v16 =	vmul.f32 $1.442695020e+00, v33;
	v27 =	vld [tilespmem:s16+$0x1000];
	(erf) = vpow2.f32 v10;
	[tilespmem:s2+$0x30] =	vst v25;
	v10 =	vadd.f32 v30, v25  }
0x119: {  	v11 =	vmul.f32 v30, v11;
	vm4 =	vge.f32 v6, v25;
	v31 =	vld [tilespmem:s16+$0xFFFFF280];
	[tilespmem:s3+$0x20] =	vst v9;
	v9 =	vadd.f32 v13, v9  }
0x11a: {  	v25 =	vmul.f32 $1.442695020e+00, v28;
	v28 =	vld [tilespmem:s16+$0x80];
	(erf) = vpow2.f32 v21;
	[tilespmem:s2+$0x40] =	vst v10;
	v13 =	vadd.f32 v24, v10  }
0x11b: {  	v24 =	vmul.f32 $1.442695020e+00, v34;
	v21 =	vld [tilespmem:s16+$0xFFFFF100];
	v8 =	vmul.f32 $1.442695020e+00, v8;
	[tilespmem:s3+$0x30] =	vst v9;
	v11 =	vadd.f32 v11, v9  }
0x11c: {  	v30 =	vmul.f32 $1.442695020e+00, v32;
	v26 =	vmul.f32 $1.442695020e+00, v26;
	v9 =	vld [tilespmem:s16+$0xFFFFF380];
	[tilespmem:s2+$0x50] =	vst v13;
	v32 =	vadd.f32 v18, v13  }
0x11d: {  	s30 =	sadd.s32 $0x100, s30;
	vm5 =	vge.f32 v6, v10;
	v27 =	vmul.f32 $1.442695020e+00, v27;
	v33 =	vpop (erf);
	(erf) = vpow2.f32 v8;
	[tilespmem:s3+$0x40] =	vst v11  }
0x11e: {  	s1 =	sadd.s32 $0x100, s1;
	[tilespmem:s30+$0xFFFFFF90] =	vst v33;
	v10 =	vmul.f32 $1.442695020e+00, v31;
	(erf) = vpow2.f32 v30;
	v30 =	vadd.f32 v12, v32  }
0x11f: {  	vm1 =	vge.f32 v6, v32;
	v31 =	vld [tilespmem:s1+$0xFFFFFF80];
	v28 =	vmul.f32 $1.442695020e+00, v28;
	(erf) = vpow2.f32 v27;
	[tilespmem:s2+$0x60] =	vst v32  }
0x120: {  	v27 =	vmul.f32 $1.442695020e+00, v21;
	(erf) = vpow2.f32 v25;
	[tilespmem:s2+$0x70] =	vst v30;
	v25 =	vadd.f32 v15, v30  }
0x121: {  	v21 =	vsel vm1, $0x1, v1;
	v32 =	vmul.f32 $1.442695020e+00, v9;
	(erf) = vpow2.f32 v24;
	v8 =	vpop (erf)  }
0x122: {  	v24 =	vmul.f32 $1.442695020e+00, v35;
	[tilespmem:s30+$0x40] =	vst v8;
	(erf) = vpow2.f32 v10;
	vm6 =	vge.f32 v6, v25  }
0x123: {  	vm1 =	vge.f32 v6, v30;
	v34 =	vld [tilespmem:s1+$0x30];
	(erf) = vpow2.f32 v27;
	v9 =	vpop (erf);
	[tilespmem:s2+$0x80] =	vst v25;
	vm3 =	vmand vm3, vm6  }
0x124: {  	v11 =	vadd.f32 v22, v11;
	v30 =	vmul.f32 v31, v5;
	[tilespmem:s30+$0x60] =	vst v9;
	(erf) = vpow2.f32 v32  }
0x125: {  	v22 =	vmul.f32 v18, v29;
	v31 =	vadd.f32 v33, v3;
	(erf) = vpow2.f32 v24  }
0x126: {  	v18 =	vsel vm3, $0x1, v1;
	v24 =	vadd.f32 $1.000000050e-03, v30;
	v27 =	vpop (erf);
	(erf) = vpow2.f32 v28;
	[tilespmem:s3+$0x50] =	vst v11  }
0x127: {  	v7 =	vmul.f32 v12, v7;
	v22 =	vadd.f32 v22, v11;
	[tilespmem:s30+$0xFFFFFFB0] =	vst v27;
	(erf) = vpow2.f32 v16;
	v10 =	vpop (erf)  }
0x128: {  	v28 =	vsel vm4, $0x1, v1;
	v16 =	vmul.f32 v24, v31;
	v11 =	vld [tilespmem:s1+$0xFFFFFFA0];
	v12 =	vmul.f32 v34, v5;
	[tilespmem:s30+$0x70] =	vst v10;
	v3 =	vpop (erf)  }
0x129: {  	v15 =	vmul.f32 v15, v19;
	v7 =	vadd.f32 v7, v22;
	[tilespmem:s30+$0x80] =	vst v3;
	v29 =	vpop (erf);
	(erf) = vpow2.f32 v26  }
0x12a: {  	vm3 =	vge.f32 v6, v23;
	v23 =	vsel vm5, $0x1, v1;
	[tilespmem:s30+$0xFFFFFFC0] =	vst v29;
	v26 =	vadd.f32 v29, v27;
	v19 =	vpop (erf)  }
0x12b: {  	v32 =	vadd.f32 v15, v7;
	vm4 =	vge.f32 v6, v17;
	v17 =	vsel vm2, $0x1, v1;
	v30 =	vld [tilespmem:s1+$0xFFFFFFB0];
	[tilespmem:s30+$0x0] =	vst v19;
	v31 =	vpop (erf)  }
0x12c: {  	v36 =	vsel vm3, $0x1, v1;
	v35 =	vsel vm4, $0x1, v1;
	v29 =	vadd.f32 v31, v29;
	v15 =	vld [tilespmem:s1+$0xFFFFFFF0];
	v34 =	vpop (erf);
	[tilespmem:s3+$0x70] =	vst v7  }
0x12d: {  	v20 =	vadd.s32 v35, v20;
	[tilespmem:s30+$0xFFFFFFA0] =	vst v34;
	v33 =	vadd.f32 v34, v33;
	v27 =	vadd.f32 v27, v34;
	v7 =	vpop (erf)  }
0x12e: {  	v17 =	vadd.s32 v17, v20;
	v35 =	vmul.f32 v11, v5;
	v34 =	vld [tilespmem:s1+$0xFFFFFF90];
	[tilespmem:s30+$0xFFFFFFF0] =	vst v7;
	v37 =	vadd.f32 v19, v7;
	v38 =	vpop (erf)  }
0x12f: {  	v17 =	vadd.s32 v36, v17;
	[tilespmem:s30+$0x30] =	vst v38;
	v11 =	vadd.f32 v8, v38;
	v20 =	vld [tilespmem:s1+$0x50];
	v39 =	vpop (erf);
	(erf) = vpow2.f32 v14  }
0x130: {  	v17 =	vadd.s32 v28, v17;
	v30 =	vmul.f32 v30, v5;
	[tilespmem:s30+$0xFFFFFFD0] =	vst v31;
	v14 =	vadd.f32 v39, v19;
	v19 =	vld [tilespmem:s1+$0x20];
	v36 =	vpop (erf)  }
0x131: {  	vm2 =	vge.f32 v6, v13;
	v28 =	vmul.f32 v15, v5;
	[tilespmem:s30+$0x10] =	vst v39;
	v15 =	vadd.f32 v36, v39;
	v39 =	vld [tilespmem:s1+$0x60]  }
0x132: {  	v17 =	vadd.s32 v23, v17;
	v23 =	vsel vm2, $0x1, v1;
	v13 =	vadd.f32 v38, v36;
	v40 =	vld [tilespmem:s1+$0xFFFFFFC0];
	[tilespmem:s30+$0x20] =	vst v36;
	v36 =	vpop (erf)  }
0x133: {  	v34 =	vmul.f32 v34, v5;
	[tilespmem:s30+$0xFFFFFFE0] =	vst v36;
	v31 =	vadd.f32 v36, v31;
	v38 =	vld [tilespmem:s1+$0xFFFFFFE0];
	v36 =	vadd.f32 v7, v36  }
0x134: {  	v17 =	vadd.s32 v23, v17;
	v7 =	vadd.f32 v10, v9;
	v41 =	vld [tilespmem:s1+$0xFFFFFFD0];
	v42 =	vmul.f32 v20, v5;
	[tilespmem:s3+$0x80] =	vst v32  }
0x135: {  	v23 =	vadd.f32 v16, v32;
	v20 =	vadd.f32 v24, v25;
	v24 =	vld [tilespmem:s1+$0x0];
	v16 =	vmul.f32 v19, v5;
	[tilespmem:s3+$0x60] =	vst v22  }
0x136: {  	s2 =	sadd.s32 $0x100, s2;
	v25 =	vadd.f32 $1.000000050e-03, v35;
	v22 =	vadd.f32 $1.000000050e-03, v34;
	v19 =	vmul.f32 v39, v5  }
0x137: {  	v17 =	vadd.s32 v21, v17;
	v32 =	vsel vm1, $0x1, v1;
	s3 =	sadd.s32 $0x100, s3;
	vm2 =	vge.f32 v6, v20;
	[tilespmem:s2+$0xFFFFFF90] =	vst v20  }
0x138: {  	v17 =	vadd.s32 v32, v17;
	v34 =	vmul.f32 v40, v5;
	[tilespmem:s3+$0xFFFFFF90] =	vst v23;
	v35 =	vmul.f32 v38, v5;
	v21 =	vpop (erf)  }
0x139: {  	v30 =	vadd.f32 $1.000000050e-03, v30;
	v20 =	vadd.f32 v22, v20;
	v22 =	vmul.f32 v22, v33;
	v32 =	vld [tilespmem:s1+$0x10];
	[tilespmem:s30+$0x50] =	vst v21  }
0x13a: {  	v33 =	vadd.f32 $1.000000050e-03, v34;
	v34 =	vmul.f32 v41, v5;
	v24 =	vmul.f32 v24, v5  }
0x13b: {  	v23 =	vadd.f32 v22, v23;
	vm1 =	vge.f32 v6, v20;
	v35 =	vadd.f32 $1.000000050e-03, v35;
	[tilespmem:s2+$0xFFFFFFA0] =	vst v20  }
0x13c: {  	v27 =	vmul.f32 v25, v27;
	v38 =	vsel vm1, $0x1, v1;
	v22 =	vadd.f32 $1.000000050e-03, v24  }
0x13d: {  	v20 =	vadd.f32 v25, v20;
	v25 =	vmul.f32 v30, v26;
	v24 =	vsel vm2, $0x1, v1;
	[tilespmem:s3+$0xFFFFFFA0] =	vst v23  }
0x13e: {  	v17 =	vadd.s32 v18, v17;
	v26 =	vadd.f32 $1.000000050e-03, v34;
	v32 =	vmul.f32 v32, v5  }
0x13f: {  	v17 =	vadd.s32 v24, v17;
	v18 =	vadd.f32 v30, v20;
	v24 =	vmul.f32 v33, v29;
	[tilespmem:s2+$0xFFFFFFB0] =	vst v20  }
0x140: {  	v23 =	vadd.f32 v27, v23;
	vm1 =	vge.f32 v6, v20;
	v29 =	vmul.f32 v35, v36  }
0x141: {  	v30 =	vmul.f32 v26, v31;
	v20 =	vsel vm1, $0x1, v1;
	v27 =	vadd.f32 v33, v18;
	[tilespmem:s2+$0xFFFFFFC0] =	vst v18  }
0x142: {  	v17 =	vadd.s32 v38, v17;
	vm1 =	vge.f32 v6, v18;
	v18 =	vadd.f32 $1.000000050e-03, v28;
	[tilespmem:s3+$0xFFFFFFB0] =	vst v23;
	v28 =	vld [tilespmem:s1+$0x40]  }
0x143: {  	vm2 =	vge.f32 v6, v27;
	v26 =	vadd.f32 v26, v27;
	v23 =	vadd.f32 v25, v23;
	[tilespmem:s2+$0xFFFFFFD0] =	vst v27  }
0x144: {  	v17 =	vadd.s32 v20, v17;
	v20 =	vsel vm1, $0x1, v1;
	v27 =	vsel vm2, $0x1, v1  }
.Ltmp1:
0x145: {  	v17 =	vadd.s32 v20, v17;
	v25 =	vmul.f32 v18, v37;
	v24 =	vadd.f32 v24, v23;
	[tilespmem:s2+$0xFFFFFFE0] =	vst v26;
	v20 =	vld [tilespmem:s1+$0x70];
	(pc) =	sbr.rel @p1 .LBB2_6-.Ltmp1, $4  }
0x146: {  	vm1 =	vge.f32 v6, v26;
	v26 =	vadd.f32 v35, v26;
	[tilespmem:s3+$0xFFFFFFC0] =	vst v23;
	v23 =	vadd.f32 $1.000000050e-03, v32  }
0x147: {  	v27 =	vadd.s32 v27, v17;
	v30 =	vadd.f32 v30, v24;
	[tilespmem:s3+$0xFFFFFFD0] =	vst v24;
	v24 =	vmul.f32 v28, v5  }
0x148: {  	v28 =	vsel vm1, $0x1, v1;
	vm1 =	vge.f32 v6, v26;
	v17 =	vadd.f32 v18, v26;
	[tilespmem:s2+$0xFFFFFFF0] =	vst v26  }
0x149: {  	s16 =	sadd.s32 $0x2000, s16;
	v18 =	vadd.f32 $1.000000050e-03, v42;
	v27 =	vadd.s32 v28, v27;
	v26 =	vadd.f32 v29, v30;
	[tilespmem:s3+$0xFFFFFFE0] =	vst v30  }
0x14a: {  	v28 =	vadd.f32 v22, v17  }
0x14b: {  	v16 =	vadd.f32 $1.000000050e-03, v16;
	v12 =	vadd.f32 $1.000000050e-03, v12  }
0x14c: {  	v8 =	vadd.f32 v21, v8;
	v9 =	vadd.f32 v9, v21;
	v14 =	vmul.f32 v22, v14  }
0x14d: {  	v30 =	vsel vm1, $0x1, v1;
	v15 =	vmul.f32 v23, v15;
	v31 =	vadd.f32 $1.000000050e-03, v24  }
0x14e: {  	v20 =	vmul.f32 v20, v5;
	v19 =	vadd.f32 $1.000000050e-03, v19;
	v29 =	vadd.f32 v23, v28  }
0x14f: {  	vm1 =	vmmov vm0;
	vm4 =	vge.f32 v6, v17;
	v25 =	vadd.f32 v25, v26  }
0x150: {  	v22 =	vadd.s32 v30, v27;
	vm1 =	vmneg @p0 vm1;
	v63 =	vadd.f32 v16, v29  }
0x151: {  	[tilespmem:s2+$0x0] =	vst v17;
	v17 =	vsel vm4, $0x1, v1;
	v20 =	vadd.f32 $1.000000050e-03, v20;
	v13 =	vmul.f32 v16, v13  }
0x152: {  	v8 =	vmul.f32 v31, v8;
	vm2 =	vge.f32 v6, v28;
	v32 =	vadd.f32 v12, v63  }
0x153: {  	v11 =	vmul.f32 v12, v11;
	v17 =	vadd.s32 v17, v22;
	v14 =	vadd.f32 v14, v25  }
0x154: {  	[tilespmem:s3+$0xFFFFFFF0] =	vst v26;
	v9 =	vmul.f32 v18, v9;
	v38 =	vsel vm2, $0x1, v1;
	v33 =	vadd.f32 v31, v32  }
0x155: {  	[tilespmem:s2+$0x10] =	vst v28;
	vm14 =	vge.f32 v6, v29;
	v39 =	vadd.s32 v38, v17;
	v15 =	vadd.f32 v15, v14  }
0x156: {  	[tilespmem:s3+$0x0] =	vst v25;
	v40 =	vsel vm14, $0x1, v1;
	vm3 =	vge.f32 v6, v63;
	v34 =	vadd.f32 v18, v33  }
0x157: {  	[tilespmem:s3+$0x10] =	vst v14;
	v14 =	vadd.s32 v40, v39;
	v13 =	vadd.f32 v13, v15;
	v41 =	vsel vm3, $0x1, v1  }
0x158: {  	[tilespmem:s2+$0x20] =	vst v29;
	vm5 =	vge.f32 v6, v32;
	v14 =	vadd.s32 v41, v14;
	v35 =	vadd.f32 v19, v34  }
0x159: {  	[tilespmem:s2+$0x30] =	vst v63;
	v11 =	vadd.f32 v11, v13;
	v42 =	vsel vm5, $0x1, v1;
	vm3 =	vge.f32 v6, v33  }
0x15a: {  	[tilespmem:s3+$0x20] =	vst v15;
	v14 =	vadd.s32 v42, v14;
	v43 =	vsel vm3, $0x1, v1;
	v36 =	vadd.f32 v20, v35  }
0x15b: {  	[tilespmem:s2+$0x40] =	vst v32;
	v8 =	vadd.f32 v8, v11;
	vm13 =	vge.f32 v6, v34;
	v44 =	vadd.s32 v43, v14  }
0x15c: {  	[tilespmem:s3+$0x30] =	vst v13;
	v37 =	vsel vm13, $0x1, v1;
	vm15 =	vge.f32 v6, v35;
	vm2 =	vge.f32 v6, v36  }
0x15d: {  	[tilespmem:s2+$0x50] =	vst v33;
	v13 =	vadd.s32 v37, v44;
	v46 =	vsel vm15, $0x1, v1;
	vm1 =	vmand vm1, vm2  }
0x15e: {  	v3 =	vadd.f32 v3, v10;
	[tilespmem:s3+$0x40] =	vst v11;
	v47 =	vadd.s32 v46, v13;
	v45 =	vsel vm1, $0x1, v1  }
0x15f: {  	v7 =	vmul.f32 v19, v7;
	[tilespmem:s2+$0x60] =	vst v34;
	v9 =	vadd.f32 v9, v8;
	v10 =	vadd.s32 v45, v47  }
0x160: {  	[tilespmem:s3+$0x50] =	vst v8;
	v10 =	vshll.u32 v10, $0x4  }
0x161: {  	v3 =	vmul.f32 v20, v3;
	[tilespmem:s2+$0x70] =	vst v35;
	v7 =	vadd.f32 v7, v9;
	v48 =	vor.u32 v2, v10  }
0x162: {  	[tilespmem:s3+$0x60] =	vst v9  }
0x163: {  	[tilespmem:s2+$0x80] =	vst v36;
	v3 =	vadd.f32 v3, v7  }
0x164: {  	[tilespmem:s3+$0x70] =	vst v7  }
0x165: {  	[tilespmem:s3+$0x80] =	vst v3  }
0x166: {  	v7 =	vld.idx.msk [tilespmem:v48+s10+$0x0], $0xffff;
	_ =	sdelay $0x2  }
0x167: {  	(erf) = vrcp.f32 v3  }
0x168: {  	v3 =	vor.u32 $0x10, v2  }
0x169: {  	v49 =	vadd.s32 v3, v10;
	v5 =	vmul.f32 v7, v5;
	_ =	sdelay $0x1  }
0x16a: {  	v5 =	vadd.f32 $1.000000050e-03, v5;
	_ =	sdelay $0x1  }
0x16b: {  	v8 =	vld.idx.msk [tilespmem:v48+s13+$0x0], $0xffff;
	(erf) = vrcp.f32 v5  }
0x16c: {  	v7 =	vld.idx.msk [tilespmem:v49+s13+$0x0], $0xffff  }
0x16d: {  	v51 =	vld.idx.msk [tilespmem:v48+s0+$0x0], $0xffff  }
0x16e: {  	v50 =	vpop (erf)  }
0x16f: {  	v9 =	vmul.f32 $9.990000120e-01, v50;
	_ =	sdelay $0x1  }
0x170: {  	v8 =	vmul.f32 v8, v9;
	v7 =	vmul.f32 v7, v9  }
0x171: {  	v52 =	vsub.f32 v6, v51  }
0x172: {  	v8 =	vadd.f32 $5.000000240e-04, v8;
	v7 =	vadd.f32 $5.000000240e-04, v7  }
0x173: {  	v53 =	vpop (erf)  }
0x174: {  	v7 =	vsub.f32 v7, v8;
	v6 =	vmul.f32 v53, v52;
	_ =	sdelay $0x1  }
0x175: {  	v7 =	vmul.f32 v7, v6;
	_ =	sdelay $0x1  }
0x176: {  	v54 =	vadd.f32 v7, v8;
	_ =	sdelay $0x1  }
0x177: {  	v12 =	vadd.f32 v54, v54;
	_ =	sdelay $0x1  }
0x178: {  	v55 =	vand.u32 $0x7FFFFF, v12  }
0x179: {  	v13 =	vor.u32 $0x3F800000, v55  }
0x17a: {  	v56 =	vmul.f32 $5.000000000e-01, v13  }
0x17b: {  	vm1 =	vgt.f32 v13, $1.414213540e+00  }
0x17c: {  	v13 =	vsel vm1, v56, v13  }
0x17d: {  	v14 =	vadd.f32 $1.000000000e+00, v13;
	_ =	sdelay $0x1  }
0x17e: {  	(erf) = vrcp.f32 v14;
	_ =	sdelay $0x7  }
0x17f: {  	v13 =	vadd.f32 $-1.000000000e+00, v13  }
0x180: {  	v14 =	vpop (erf)  }
0x181: {  	v13 =	vmul.f32 v14, v13;
	_ =	sdelay $0x1  }
0x182: {  	v11 =	vld.idx.msk [tilespmem:v48+s6+$0x0], $0xffff;
	v14 =	vmul.f32 v13, v13;
	_ =	sdelay $0x1  }
0x183: {  	v57 =	vmul.f32 $2.857142980e-01, v14  }
0x184: {  	v8 =	vadd.f32 v8, v8  }
0x185: {  	v10 =	vmul.f32 $1.000000050e-03, v51;
	v15 =	vadd.f32 $4.000000060e-01, v57  }
0x186: {  	v9 =	vmul.f32 v11, v9;
	v5 =	vmul.f32 v6, v5;
	v58 =	vadd.f32 v7, v8  }
0x187: {  	v59 =	vmul.f32 v15, v14  }
0x188: {  	v60 =	vadd.f32 v9, v10;
	v5 =	vmul.f32 v58, v5  }
0x189: {  	v61 =	vshrl.u32 v12, $0x17;
	v7 =	vadd.f32 $6.666666860e-01, v59  }
0x18a: {  	v6 =	vadd.s32 $0xFFFFFF81, v61;
	v5 =	vadd.f32 v5, v60  }
0x18b: {  	v6 =	vcvt.s32.f32 v6;
	v7 =	vmul.f32 v7, v14  }
0x18c: {  	v62 =	vsel vm1, $0x3F800000, v0;
	v5 =	vmax.f32 v5, $0.0e+00  }
0x18d: {  	v6 =	vadd.f32 v6, v62;
	v5 =	vmin.f32 v5, $1.000000000e+00;
	v7 =	vadd.f32 $2.000000000e+00, v7  }
0x18e: {  	s28 =	sadd.s32 $0x1, s28;
	v5 =	vmul.f32 $6.000000000e+00, v5  }
0x18f: {  	p0 =	sne.s32 s28, $0x20;
	v6 =	vmul.f32 $6.931471820e-01, v6;
	v7 =	vmul.f32 v7, v13  }
.Ltmp2:
0x190: {  	v63 =	vand.u32 $0x7FFFFFFF, v4;
	v5 =	vadd.f32 $-3.000000000e+00, v5;
	(pc) =	sbr.rel @p0 .LBB2_3-.Ltmp2, $4  }
0x191: {  	vm1 =	vle.f32 v63, $3.000000000e+00;
	v6 =	vadd.f32 v7, v6  }
0x192: {  	v4 =	vsel vm1, v5, v4  }
0x193: {  	[tilespmem:s29+$0x12400] =	vst v4;
	v4 =	vnsel vm1, $0x0, v6  }
0x194: {  	s26 =	sadd.s32 $0x200, s26;
	s25 =	sadd.s32 $0x1, s25;
	[tilespmem:s29+$0x12600] =	vst v4  }
0x195: {  	s1 =	sshll.u32 s22, $0xA;
	s2 =	sadd.s32 s9, s22  }
0x196: {  	s1 =	sand.u32 $0x3C00, s1;
	s2 =	sand.u32 $0x70, s2  }
0x197: {  	s1 =	sor.u32 s2, s1  }
0x198: {  	s1 =	sor.u32 s11, s1  }
0x199: {  	s30 =	sadd.s32 s4, s1  }
0x19a: {  	[hbm4b:s30+s18] =	stream.strided.scatter [tilespmem:s12], [sflag:$0x3], $0x200, s23, s18, $0x38;
	[tilespmem:$0x13180] =	vst v63  }
0x19b: {  	_ =	swait.ge [sflag:s17], $0x200  }
0x19c: {  	p0 =	seq.s32 s22, $0x1F;
	[sflag:s17] =	ssyncset.done $0x0  }
.Ltmp3:
0x19d: {  	s1 =	sadd.s32 s5, s1;
	[sflag:s17] =	ssyncadd.s32 $0xFFFFFE00;
	(pc) =	sbr.rel @p0 .LBB2_10-.Ltmp3, $4  }
0x19e: {  	[hbm4b:s1+s18] =	stream.strided.scatter [tilespmem:s20], [sflag:$0x3], $0x200, s23, s18, $0x38;
	[tilespmem:$0x13180] =	vst v63  }
0x19f: {  	_ =	swait.ge [sflag:s17], $0x200  }
0x1a0: {  	[sflag:s17] =	ssyncset.done $0x0  }
0x1a1: {  	[sflag:s17] =	ssyncadd.s32 $0xFFFFFE00  }
0x1a2: {  	s1 =	sshll.u32 s22, $0x1  }
0x1a3: {  	s1 =	sadd.s32 $0x2, s1  }
0x1a4: {  	s2 =	sshrl.u32 s1, $0x5  }
0x1a5: {  	s1 =	sshll.u32 s1, $0xC;
	s2 =	sadd.s32 s8, s2  }
0x1a6: {  	s1 =	sand.u32 $0x1E000, s1;
	s3 =	sshll.u32 s2, $0x13  }
0x1a7: {  	s3 =	sor.u32 s1, s3  }
0x1a8: {  	s15 =	rddreg [dreg:$0x1];
	s30 =	simm.s32 $0x1000;
	s3 =	sshrl.u32 s3, $0x3  }
0x1a9: {  	s16 =	simm.s32 $0x20000;
	s25 =	simm.s32 $0x200;
	s3 =	sadd.s32 s15, s3  }
0x1aa: {  	[tilespmem:s25], [sflag:$0x1] =	stream.strided.gather [hbm4b:s3+s30], $0x4000, s16, s30, $0x38;
	[tilespmem:$0x13180] =	vst v63  }
0x1ab: {  	s25 =	sshll.u32 s2, $0xE;
	s2 =	sshll.u32 s2, $0x7  }
0x1ac: {  	s3 =	sand.u32 $0x7FFE0000, s25;
	s2 =	sand.u32 $0x380, s2  }
0x1ad: {  	s2 =	sor.u32 s3, s2  }
0x1ae: {  	s1 =	sor.u32 s1, s2  }
0x1af: {  	s26 =	rddreg [dreg:$0x2];
	s1 =	sshrl.u32 s1, $0x3  }
0x1b0: {  	s28 =	simm.s32 $0x4200;
	s2 =	sadd.s32 s26, s1  }
0x1b1: {  	[tilespmem:s28], [sflag:$0x1] =	stream.strided.gather [hbm4b:s2+s18], $0x400, s19, s18, $0x38;
	[tilespmem:$0x13180] =	vst v63  }
0x1b2: {  	s30 =	simm.s32 $0x4600;
	s29 =	sadd.s32 $0x80, s2  }
0x1b3: {  	[tilespmem:s30], [sflag:$0x1] =	stream.strided.gather [hbm4b:s29+s18], $0x400, s19, s18, $0x38;
	[tilespmem:$0x13180] =	vst v63  }
0x1b4: {  	s16 =	simm.s32 $0x4A00;
	s15 =	sadd.s32 $0x100, s2  }
0x1b5: {  	[tilespmem:s16], [sflag:$0x1] =	stream.strided.gather [hbm4b:s15+s18], $0x400, s19, s18, $0x38;
	[tilespmem:$0x13180] =	vst v63  }
0x1b6: {  	s26 =	simm.s32 $0x4E00;
	s25 =	sadd.s32 $0x180, s2  }
0x1b7: {  	[tilespmem:s26], [sflag:$0x1] =	stream.strided.gather [hbm4b:s25+s18], $0x400, s19, s18, $0x38;
	[tilespmem:$0x13180] =	vst v63  }
0x1b8: {  	s3 =	sadd.s32 $0x100000, s2;
	s28 =	simm.s32 $0x5200  }
0x1b9: {  	[tilespmem:s28], [sflag:$0x1] =	stream.strided.gather [hbm4b:s3+s18], $0x400, s19, s18, $0x38;
	[tilespmem:$0x13180] =	vst v63  }
0x1ba: {  	s29 =	sadd.s32 $0x80, s3;
	s30 =	simm.s32 $0x5600  }
0x1bb: {  	[tilespmem:s30], [sflag:$0x1] =	stream.strided.gather [hbm4b:s29+s18], $0x400, s19, s18, $0x38;
	[tilespmem:$0x13180] =	vst v63  }
0x1bc: {  	s25 =	sadd.s32 $0x100, s3;
	s26 =	simm.s32 $0x5A00  }
0x1bd: {  	[tilespmem:s26], [sflag:$0x1] =	stream.strided.gather [hbm4b:s25+s18], $0x400, s19, s18, $0x38;
	[tilespmem:$0x13180] =	vst v63  }
0x1be: {  	s3 =	sadd.s32 $0x180, s3;
	s28 =	simm.s32 $0x5E00  }
0x1bf: {  	[tilespmem:s28], [sflag:$0x1] =	stream.strided.gather [hbm4b:s3+s18], $0x400, s19, s18, $0x38;
	[tilespmem:$0x13180] =	vst v63  }
0x1c0: {  	s29 =	sadd.s32 $0x200000, s2;
	s30 =	simm.s32 $0x6200  }
0x1c1: {  	[tilespmem:s30], [sflag:$0x1] =	stream.strided.gather [hbm4b:s29+s18], $0x400, s19, s18, $0x38;
	[tilespmem:$0x13180] =	vst v63  }
0x1c2: {  	s16 =	sadd.s32 $0x80, s29;
	s25 =	simm.s32 $0x6600  }
0x1c3: {  	[tilespmem:s25], [sflag:$0x1] =	stream.strided.gather [hbm4b:s16+s18], $0x400, s19, s18, $0x38;
	[tilespmem:$0x13180] =	vst v63  }
0x1c4: {  	s26 =	sadd.s32 $0x100, s29;
	s28 =	simm.s32 $0x6A00  }
0x1c5: {  	[tilespmem:s28], [sflag:$0x1] =	stream.strided.gather [hbm4b:s26+s18], $0x400, s19, s18, $0x38;
	[tilespmem:$0x13180] =	vst v63  }
0x1c6: {  	s3 =	sadd.s32 $0x180, s29;
	s29 =	simm.s32 $0x6E00  }
0x1c7: {  	[tilespmem:s29], [sflag:$0x1] =	stream.strided.gather [hbm4b:s3+s18], $0x400, s19, s18, $0x38;
	[tilespmem:$0x13180] =	vst v63  }
0x1c8: {  	s30 =	sadd.s32 $0x300000, s2;
	s16 =	simm.s32 $0x7200  }
0x1c9: {  	[tilespmem:s16], [sflag:$0x1] =	stream.strided.gather [hbm4b:s30+s18], $0x400, s19, s18, $0x38;
	[tilespmem:$0x13180] =	vst v63  }
0x1ca: {  	s25 =	sadd.s32 $0x80, s30;
	s26 =	simm.s32 $0x7600  }
0x1cb: {  	[tilespmem:s26], [sflag:$0x1] =	stream.strided.gather [hbm4b:s25+s18], $0x400, s19, s18, $0x38;
	[tilespmem:$0x13180] =	vst v63  }
0x1cc: {  	s28 =	sadd.s32 $0x100, s30;
	s29 =	simm.s32 $0x7A00  }
0x1cd: {  	[tilespmem:s29], [sflag:$0x1] =	stream.strided.gather [hbm4b:s28+s18], $0x400, s19, s18, $0x38;
	[tilespmem:$0x13180] =	vst v63  }
0x1ce: {  	s3 =	sadd.s32 $0x180, s30;
	s30 =	simm.s32 $0x7E00  }
0x1cf: {  	[tilespmem:s30], [sflag:$0x1] =	stream.strided.gather [hbm4b:s3+s18], $0x400, s19, s18, $0x38;
	[tilespmem:$0x13180] =	vst v63  }
0x1d0: {  	s15 =	simm.s32 $0x8200;
	s2 =	sadd.s32 $0x400000, s2  }
0x1d1: {  	[tilespmem:s15], [sflag:$0x1] =	stream.linear.gather [hbm4b:s2+s7], $0x80, $0x38;
	[tilespmem:$0x13180] =	vst v63  }
0x1d2: {  	s16 =	sadd.s32 $0x80, s2;
	s25 =	simm.s32 $0x8600  }
0x1d3: {  	[tilespmem:s25], [sflag:$0x1] =	stream.linear.gather [hbm4b:s16+s7], $0x80, $0x38;
	[tilespmem:$0x13180] =	vst v63  }
0x1d4: {  	s26 =	sadd.s32 $0x100, s2;
	s28 =	simm.s32 $0x8A00  }
0x1d5: {  	[tilespmem:s28], [sflag:$0x1] =	stream.linear.gather [hbm4b:s26+s7], $0x80, $0x38;
	[tilespmem:$0x13180] =	vst v63  }
0x1d6: {  	s29 =	simm.s32 $0x8E00;
	s30 =	rddreg [dreg:$0x0];
	s2 =	sadd.s32 $0x180, s2  }
0x1d7: {  	[tilespmem:s29], [sflag:$0x1] =	stream.linear.gather [hbm4b:s2+s7], $0x80, $0x38;
	[tilespmem:$0x13180] =	vst v63  }
0x1d8: {  	s1 =	sadd.s32 s30, s1  }
0x1d9: {  	[tilespmem:s7], [sflag:$0x1] =	stream.strided.gather [hbm4b:s1+s18], $0x200, s23, s18, $0x38;
	[tilespmem:$0x13180] =	vst v63  }
.LBB2_10:
0x1da: {  	_ =	swait.ge [sflag:s21], $0x4000  }
0x1db: {  	[sflag:s21] =	ssyncset.done $0x0  }
0x1dc: {  	[sflag:s21] =	ssyncadd.s32 $0xFFFFC000  }
0x1dd: {  	_ =	swait.ge [sflag:s21], $0x4200  }
0x1de: {  	[sflag:s21] =	ssyncset.done $0x0  }
0x1df: {  	[sflag:s21] =	ssyncadd.s32 $0xFFFFBE00  }
0x1e0: {  	_ =	swait.ge [sflag:s21], $0x200  }
0x1e1: {  	s25 =	simm.s32 $0x0;
	[sflag:s21] =	ssyncset.done $0x0  }
0x1e2: {  	s26 =	simm.s32 $0x0;
	s28 =	simm.s32 $0x0;
	[sflag:s21] =	ssyncadd.s32 $0xFFFFFE00  }
.LBB2_11:
0x1e3: {  	s1 =	sand.u32 $0x7, s25  }
0x1e4: {  	s2 =	sand.u32 $0xFFFFF000, s26;
	s1 =	sshll.u32 s1, $0x6  }
0x1e5: {  	s1 =	sor.u32 s1, s2  }
0x1e6: {  	s2 =	sshrl.u32 s1, $0x2  }
0x1e7: {  	s1 =	sadd.s32 $0x9600, s2  }
0x1e8: {  	v4 =	vld [tilespmem:s1+$0xFFFFFE00];
	_ =	sdelay $0x1  }
0x1e9: {  	v5 =	vld [tilespmem:s1+$0xFFFFFE80];
	_ =	sdelay $0x1  }
0x1ea: {  	v6 =	vld [tilespmem:s1+$0xFFFFFF00]  }
0x1eb: {  	v4 =	vmul.f32 $1.442695020e+00, v4  }
0x1ec: {  	v7 =	vld [tilespmem:s1+$0xFFFFFF80]  }
0x1ed: {  	v5 =	vmul.f32 $1.442695020e+00, v5;
	(erf) = vpow2.f32 v4  }
0x1ee: {  	v4 =	vld [tilespmem:s1+$0x0]  }
0x1ef: {  	v6 =	vmul.f32 $1.442695020e+00, v6;
	(erf) = vpow2.f32 v5;
	v5 =	vld [tilespmem:s1+$0x80];
	_ =	sdelay $0x1  }
0x1f0: {  	v7 =	vmul.f32 $1.442695020e+00, v7;
	(erf) = vpow2.f32 v6;
	v6 =	vld [tilespmem:s1+$0x100];
	_ =	sdelay $0x1  }
0x1f1: {  	(erf) = vpow2.f32 v7;
	v4 =	vmul.f32 $1.442695020e+00, v4  }
0x1f2: {  	v5 =	vmul.f32 $1.442695020e+00, v5  }
0x1f3: {  	v7 =	vld [tilespmem:s1+$0x180];
	(erf) = vpow2.f32 v4  }
0x1f4: {  	v4 =	vimm.f32 $0.0e+00;
	v6 =	vmul.f32 $1.442695020e+00, v6;
	v8 =	vpop (erf)  }
0x1f5: {  	s30 =	sadd.s32 $0x1000, s1;
	(erf) = vpow2.f32 v5;
	v9 =	vadd.f32 v8, v4  }
0x1f6: {  	v5 =	vpop (erf);
	(erf) = vpow2.f32 v6;
	v6 =	vld [tilespmem:s30+$0xFFFFFE00]  }
0x1f7: {  	v9 =	vadd.f32 v5, v9  }
0x1f8: {  	v11 =	vld [tilespmem:s30+$0xFFFFFE80];
	v7 =	vmul.f32 $1.442695020e+00, v7;
	v10 =	vpop (erf)  }
0x1f9: {  	v9 =	vadd.f32 v10, v9  }
0x1fa: {  	s29 =	sshll.u32 s28, $0x4;
	s1 =	simm.s32 $0x12840;
	(erf) = vpow2.f32 v7;
	v7 =	vld [tilespmem:s30+$0xFFFFFF00];
	v12 =	vpop (erf)  }
0x1fb: {  	v4 =	vld [tilespmem:s29+$0x9200];
	[tilespmem:s1+$0xFFFFFFD0] =	vst v5;
	v5 =	vmul.f32 $1.442695020e+00, v6;
	v9 =	vadd.f32 v12, v9  }
0x1fc: {  	v13 =	vld [tilespmem:s30+$0xFFFFFF80];
	v14 =	vpop (erf)  }
0x1fd: {  	(erf) = vpow2.f32 v5;
	v6 =	vadd.f32 v14, v9;
	v9 =	vmul.f32 $1.442695020e+00, v11  }
0x1fe: {  	[tilespmem:s1+$0xFFFFFFC0] =	vst v8;
	v8 =	vld [tilespmem:s30+$0x0]  }
0x1ff: {  	v5 =	vmul.f32 $1.442695020e+00, v7;
	v11 =	vpop (erf);
	(erf) = vpow2.f32 v9  }
0x200: {  	[tilespmem:s1+$0xFFFFFFE0] =	vst v10;
	v10 =	vld [tilespmem:s30+$0x80]  }
0x201: {  	[tilespmem:s1+$0xFFFFFFF0] =	vst v12;
	v7 =	vmul.f32 $1.442695020e+00, v13;
	v6 =	vadd.f32 v11, v6;
	v9 =	vpop (erf);
	(erf) = vpow2.f32 v5  }
0x202: {  	[tilespmem:s1+$0x0] =	vst v14;
	v5 =	vld [tilespmem:s30+$0x100]  }
0x203: {  	s3 =	sshll.u32 s28, $0x9;
	v8 =	vmul.f32 $1.442695020e+00, v8;
	[tilespmem:s1+$0x10] =	vst v11;
	v11 =	vadd.f32 v9, v6;
	(erf) = vpow2.f32 v7  }
0x204: {  	s3 =	sand.u32 $0x7FFFF000, s3;
	s16 =	sadd.s32 $0xE400, s2;
	[tilespmem:s1+$0x20] =	vst v9;
	v9 =	vpop (erf);
	v6 =	vld [tilespmem:s30+$0x180]  }
0x205: {  	s15 =	simm.s32 $0x8;
	s2 =	sand.u32 $0x70, s29;
	v7 =	vmul.f32 $1.442695020e+00, v10;
	s30 =	sadd.s32 $0x1000, s30;
	(erf) = vpow2.f32 v8;
	[tilespmem:s1+$0x30] =	vst v9;
	v8 =	vadd.f32 v9, v11  }
.LBB2_12:
0x206: {  	v9 =	vld [tilespmem:s30+$0xFFFFFE00];
	s15 =	sadd.s32 $0x8, s15;
	v10 =	vpop (erf);
	s1 =	sadd.s32 $0x80, s1  }
0x207: {  	p0 =	slt.u32 s15, $0x18;
	[tilespmem:s1+$0xFFFFFFC0] =	vst v10;
	v8 =	vadd.f32 v10, v8;
	v5 =	vmul.f32 $1.442695020e+00, v5;
	(erf) = vpow2.f32 v7  }
0x208: {  	v7 =	vld [tilespmem:s30+$0xFFFFFE80];
	v10 =	vpop (erf)  }
0x209: {  	[tilespmem:s1+$0xFFFFFFD0] =	vst v10;
	v8 =	vadd.f32 v10, v8;
	v6 =	vmul.f32 $1.442695020e+00, v6;
	(erf) = vpow2.f32 v5  }
0x20a: {  	v5 =	vld [tilespmem:s30+$0xFFFFFF00];
	v10 =	vpop (erf)  }
0x20b: {  	v9 =	vmul.f32 $1.442695020e+00, v9;
	[tilespmem:s1+$0xFFFFFFE0] =	vst v10;
	v8 =	vadd.f32 v10, v8;
	(erf) = vpow2.f32 v6  }
0x20c: {  	v6 =	vld [tilespmem:s30+$0xFFFFFF80];
	v10 =	vpop (erf)  }
0x20d: {  	v7 =	vmul.f32 $1.442695020e+00, v7;
	(erf) = vpow2.f32 v9;
	[tilespmem:s1+$0xFFFFFFF0] =	vst v10;
	v8 =	vadd.f32 v10, v8  }
0x20e: {  	v9 =	vld [tilespmem:s30+$0x0];
	v10 =	vpop (erf)  }
0x20f: {  	v5 =	vmul.f32 $1.442695020e+00, v5;
	(erf) = vpow2.f32 v7;
	[tilespmem:s1+$0x0] =	vst v10;
	v7 =	vadd.f32 v10, v8  }
0x210: {  	v8 =	vld [tilespmem:s30+$0x80];
	v10 =	vpop (erf)  }
.Ltmp4:
0x211: {  	v6 =	vmul.f32 $1.442695020e+00, v6;
	(erf) = vpow2.f32 v5;
	[tilespmem:s1+$0x10] =	vst v10;
	v7 =	vadd.f32 v10, v7;
	(pc) =	sbr.rel @p0 .LBB2_12-.Ltmp4, $4  }
0x212: {  	v5 =	vld [tilespmem:s30+$0x100];
	v10 =	vpop (erf)  }
0x213: {  	v9 =	vmul.f32 $1.442695020e+00, v9;
	(erf) = vpow2.f32 v6;
	[tilespmem:s1+$0x20] =	vst v10;
	v10 =	vadd.f32 v10, v7  }
0x214: {  	v6 =	vld [tilespmem:s30+$0x180];
	v11 =	vpop (erf)  }
0x215: {  	s30 =	sadd.s32 $0x1000, s30;
	v7 =	vmul.f32 $1.442695020e+00, v8;
	(erf) = vpow2.f32 v9;
	[tilespmem:s1+$0x30] =	vst v11;
	v8 =	vadd.f32 v11, v10  }
0x216: {  	_ = 	snop  }
0x217: {  	v5 =	vmul.f32 $1.442695020e+00, v5;
	_ =	sdelay $0x2  }
0x218: {  	(erf) = vpow2.f32 v7;
	v6 =	vmul.f32 $1.442695020e+00, v6  }
0x219: {  	(erf) = vpow2.f32 v5;
	v5 =	vpop (erf)  }
0x21a: {  	(erf) = vpow2.f32 v6;
	v6 =	vadd.f32 v5, v8;
	_ =	sdelay $0x1  }
0x21b: {  	s1 =	sadd.s32 $0x80, s1;
	v7 =	vpop (erf)  }
0x21c: {  	[tilespmem:s1+$0xFFFFFFC0] =	vst v5;
	v5 =	vadd.f32 v7, v6  }
0x21d: {  	[tilespmem:s1+$0xFFFFFFD0] =	vst v7;
	v6 =	vpop (erf)  }
0x21e: {  	[tilespmem:s1+$0xFFFFFFE0] =	vst v6;
	v5 =	vadd.f32 v6, v5;
	v6 =	vpop (erf)  }
0x21f: {  	[tilespmem:s1+$0xFFFFFFF0] =	vst v6;
	v7 =	vpop (erf)  }
0x220: {  	v5 =	vadd.f32 v6, v5;
	[tilespmem:s1+$0x0] =	vst v7;
	v6 =	vpop (erf)  }
0x221: {  	[tilespmem:s1+$0x10] =	vst v6;
	v8 =	vpop (erf)  }
0x222: {  	s3 =	sshrl.u32 s3, $0x2;
	v5 =	vadd.f32 v7, v5;
	[tilespmem:s1+$0x20] =	vst v8;
	v7 =	vpop (erf)  }
0x223: {  	s15 =	sadd.s32 s2, s3;
	[tilespmem:s1+$0x30] =	vst v7  }
0x224: {  	v5 =	vadd.f32 v6, v5;
	v6 =	vld [tilespmem:s15+$0xD400];
	_ =	sdelay $0x1  }
0x225: {  	v5 =	vadd.f32 v8, v5;
	_ =	sdelay $0x1  }
0x226: {  	v5 =	vadd.f32 v7, v5  }
0x227: {  	v6 =	vmul.f32 $1.442695020e+00, v6  }
0x228: {  	(erf) = vrcp.f32 v5  }
0x229: {  	(erf) = vpow2.f32 v6;
	_ =	sdelay $0x7  }
0x22a: {  	v5 =	vpop (erf)  }
0x22b: {  	v6 =	vpop (erf)  }
0x22c: {  	[tilespmem:$0x12A00] =	vst v6  }
0x22d: {  	v7 =	vld [tilespmem:s16+$0xFFFFF080]  }
0x22e: {  	v8 =	vld [tilespmem:s16+$0x200];
	_ =	sdelay $0x1  }
0x22f: {  	v9 =	vld [tilespmem:s16+$0x300]  }
0x230: {  	v10 =	vld [tilespmem:s16+$0xFFFFF180]  }
0x231: {  	v11 =	vld [tilespmem:s16+$0x380];
	v7 =	vmul.f32 $1.442695020e+00, v7  }
0x232: {  	v12 =	vld [tilespmem:s16+$0x1000];
	v8 =	vmul.f32 $1.442695020e+00, v8  }
0x233: {  	v13 =	vld [tilespmem:s16+$0xFFFFF200];
	(erf) = vpow2.f32 v7  }
0x234: {  	v7 =	vmul.f32 $1.442695020e+00, v9;
	(erf) = vpow2.f32 v8;
	v8 =	vld [tilespmem:s16+$0xFFFFF280]  }
0x235: {  	v14 =	vld [tilespmem:s16+$0x0]  }
0x236: {  	v9 =	vmul.f32 $1.442695020e+00, v10;
	(erf) = vpow2.f32 v7;
	v7 =	vld [tilespmem:s16+$0xFFFFF100]  }
0x237: {  	v12 =	vmul.f32 $1.442695020e+00, v12;
	v10 =	vmul.f32 $1.442695020e+00, v11;
	v11 =	vld [tilespmem:s16+$0xFFFFF380]  }
0x238: {  	v13 =	vmul.f32 $1.442695020e+00, v13;
	(erf) = vpow2.f32 v9  }
0x239: {  	v9 =	vld [tilespmem:s16+$0x180];
	(erf) = vpow2.f32 v10;
	v8 =	vmul.f32 $1.442695020e+00, v8  }
0x23a: {  	v10 =	vmul.f32 $1.442695020e+00, v14;
	(erf) = vpow2.f32 v12;
	v12 =	vld [tilespmem:s16+$0x80]  }
0x23b: {  	(erf) = vpow2.f32 v13;
	v7 =	vmul.f32 $1.442695020e+00, v7  }
0x23c: {  	v13 =	vld [tilespmem:s16+$0x100];
	(erf) = vpow2.f32 v10;
	v10 =	vmul.f32 $1.442695020e+00, v11  }
0x23d: {  	s30 =	simm.s32 $0x12A80;
	v14 =	vld [tilespmem:s16+$0xFFFFF300];
	(erf) = vpow2.f32 v8;
	v8 =	vpop (erf)  }
0x23e: {  	s1 =	simm.s32 $0x12880;
	v11 =	vmul.f32 $1.442695020e+00, v9;
	(erf) = vpow2.f32 v7;
	[tilespmem:s30+$0xFFFFFF90] =	vst v8  }
0x23f: {  	v7 =	vmul.f32 $1.442695020e+00, v12;
	v9 =	vpop (erf);
	(erf) = vpow2.f32 v10;
	v15 =	vld [tilespmem:s1+$0xFFFFFF80]  }
0x240: {  	v10 =	vpop (erf);
	(erf) = vpow2.f32 v11  }
0x241: {  	v5 =	vmul.f32 $9.679999940e-01, v5;
	v12 =	vmul.f32 $1.442695020e+00, v13;
	v16 =	vpop (erf)  }
0x242: {  	v13 =	vmul.f32 $1.442695020e+00, v14;
	v14 =	vld [tilespmem:s16+$0x280];
	(erf) = vpow2.f32 v7;
	v11 =	vpop (erf)  }
0x243: {  	[tilespmem:s30+$0x40] =	vst v9;
	(erf) = vpow2.f32 v12;
	v7 =	vpop (erf)  }
0x244: {  	v12 =	vmax.f32 v4, $-3.000000000e+00;
	[tilespmem:s30+$0xFFFFFFB0] =	vst v16;
	(erf) = vpow2.f32 v13;
	v13 =	vld [tilespmem:s1+$0x30];
	v17 =	vpop (erf);
	v15 =	vmul.f32 v15, v5  }
0x245: {  	v12 =	vmin.f32 v12, $3.000000000e+00;
	v19 =	vld [tilespmem:s1+$0xFFFFFFA0];
	v18 =	vpop (erf);
	[tilespmem:s30+$0xFFFFFFC0] =	vst v17  }
0x246: {  	v12 =	vadd.f32 $3.000000000e+00, v12;
	v20 =	vpop (erf);
	[tilespmem:s30+$0x0] =	vst v18;
	v22 =	vadd.f32 $1.000000050e-03, v15;
	v15 =	vld [tilespmem:s1+$0xFFFFFFB0]  }
0x247: {  	v24 =	vimm.f32 $0.0e+00;
	v21 =	vadd.f32 v8, v6;
	[tilespmem:s30+$0x60] =	vst v10;
	v14 =	vmul.f32 $1.442695020e+00, v14;
	v23 =	vpop (erf);
	v25 =	vld [tilespmem:s1+$0xFFFFFFF0]  }
0x248: {  	v30 =	vadd.f32 v17, v16;
	v6 =	vmul.f32 $1.666666720e-01, v12;
	v31 =	vadd.f32 v20, v17;
	v17 =	vld [tilespmem:s1+$0x50];
	[tilespmem:s30+$0xFFFFFFA0] =	vst v23;
	v26 =	vpop (erf)  }
0x249: {  	v27 =	vimm.s32 $0x0;
	(erf) = vpow2.f32 v14;
	v13 =	vmul.f32 v13, v5;
	v28 =	vld [tilespmem:s1+$0xFFFFFF90];
	v29 =	vpop (erf);
	[tilespmem:s30+$0xFFFFFFF0] =	vst v26  }
0x24a: {  	v32 =	vadd.f32 v23, v8;
	v23 =	vadd.f32 v16, v23;
	v19 =	vmul.f32 v19, v5;
	[tilespmem:s30+$0x30] =	vst v29;
	v39 =	vld [tilespmem:s1+$0xFFFFFFE0]  }
0x24b: {  	[tilespmem:s30+$0xFFFFFFD0] =	vst v20;
	v21 =	vmul.f32 v22, v21;
	v34 =	vadd.f32 v18, v26;
	v22 =	vadd.f32 v22, v24;
	v8 =	vpop (erf);
	v33 =	vld [tilespmem:s1+$0x20]  }
0x24c: {  	v12 =	vadd.f32 v9, v29;
	v35 =	vpop (erf);
	[tilespmem:s30+$0x10] =	vst v8;
	v37 =	vmul.f32 v15, v5;
	v15 =	vadd.f32 v8, v18;
	v18 =	vld [tilespmem:s1+$0xFFFFFFC0]  }
0x24d: {  	[tilespmem:s30+$0x70] =	vst v11;
	v19 =	vadd.f32 $1.000000050e-03, v19;
	v21 =	vadd.f32 v21, v24;
	vm1 =	vge.f32 v6, v22;
	v38 =	vpop (erf);
	v24 =	vld [tilespmem:s1+$0x0]  }
0x24e: {  	v36 =	vld [tilespmem:s1+$0x60];
	v16 =	vadd.f32 v35, v8;
	v25 =	vmul.f32 v25, v5;
	v14 =	vadd.f32 v29, v35;
	[tilespmem:s30+$0xFFFFFFE0] =	vst v38  }
0x24f: {  	v8 =	vadd.f32 v11, v10;
	[tilespmem:s30+$0x20] =	vst v35;
	v29 =	vadd.f32 v38, v20;
	v20 =	vmul.f32 v28, v5;
	v28 =	vld [tilespmem:s1+$0xFFFFFFD0]  }
0x250: {  	v57 =	vmul.f32 v17, v5;
	v40 =	vmul.f32 v19, v23;
	v26 =	vadd.f32 v26, v38;
	v61 =	vld [tilespmem:s1+$0x10]  }
0x251: {  	v59 =	vmul.f32 v39, v5;
	v17 =	vmul.f32 v33, v5;
	v58 =	vadd.f32 $1.000000050e-03, v20  }
0x252: {  	v37 =	vadd.f32 $1.000000050e-03, v37;
	v18 =	vmul.f32 v18, v5;
	v24 =	vmul.f32 v24, v5  }
0x253: {  	v20 =	vmul.f32 v36, v5;
	v60 =	vadd.f32 v58, v22;
	v32 =	vmul.f32 v58, v32  }
0x254: {  	s2 =	simm.s32 $0x12D00;
	[tilespmem:s30+$0x80] =	vst v7;
	v18 =	vadd.f32 $1.000000050e-03, v18;
	v28 =	vmul.f32 v28, v5;
	v23 =	vadd.f32 $1.000000050e-03, v24  }
0x255: {  	s3 =	simm.s32 $0x12F80;
	[tilespmem:s2+$0xFFFFFF90] =	vst v22;
	v24 =	vmul.f32 v37, v30;
	v30 =	vmul.f32 v61, v5;
	v19 =	vadd.f32 v19, v60  }
0x256: {  	[tilespmem:s3+$0xFFFFFF90] =	vst v21;
	v32 =	vadd.f32 v32, v21;
	vm2 =	vge.f32 v6, v60;
	v21 =	vsel vm1, $0x1, v1  }
0x257: {  	[tilespmem:s2+$0xFFFFFFA0] =	vst v60;
	v62 =	vsel vm2, $0x1, v1;
	v21 =	vadd.s32 v21, v27;
	v27 =	vadd.f32 v37, v19  }
0x258: {  	v22 =	vpop (erf);
	v28 =	vadd.f32 $1.000000050e-03, v28;
	v31 =	vmul.f32 v18, v31;
	[tilespmem:s3+$0xFFFFFFA0] =	vst v32;
	v32 =	vadd.f32 v40, v32  }
0x259: {  	[tilespmem:s30+$0x50] =	vst v22;
	vm1 =	vge.f32 v6, v19;
	v21 =	vadd.s32 v62, v21;
	v18 =	vadd.f32 v18, v27  }
0x25a: {  	[tilespmem:s2+$0xFFFFFFB0] =	vst v19;
	v19 =	vsel vm1, $0x1, v1;
	v29 =	vmul.f32 v28, v29;
	vm1 =	vge.f32 v6, v27  }
0x25b: {  	[tilespmem:s2+$0xFFFFFFC0] =	vst v27;
	v27 =	vadd.f32 $1.000000050e-03, v25;
	v25 =	vld [tilespmem:s1+$0x40];
	v24 =	vadd.f32 v24, v32;
	vm2 =	vge.f32 v6, v18  }
0x25c: {  	v28 =	vadd.f32 v28, v18;
	[tilespmem:s2+$0xFFFFFFD0] =	vst v18;
	v18 =	vadd.s32 v19, v21;
	v19 =	vsel vm1, $0x1, v1  }
0x25d: {  	v35 =	vadd.f32 $1.000000050e-03, v59;
	[tilespmem:s3+$0xFFFFFFB0] =	vst v32;
	v21 =	vsel vm2, $0x1, v1;
	v18 =	vadd.s32 v19, v18  }
0x25e: {  	[tilespmem:s3+$0xFFFFFFC0] =	vst v24;
	v19 =	vadd.f32 v31, v24;
	v24 =	vadd.f32 $1.000000050e-03, v30;
	v30 =	vadd.s32 v21, v18;
	v21 =	vld [tilespmem:s1+$0x70]  }
0x25f: {  	v63 =	vmul.f32 v35, v26;
	[tilespmem:s2+$0xFFFFFFE0] =	vst v28;
	vm1 =	vge.f32 v6, v28;
	v28 =	vadd.f32 v35, v28  }
0x260: {  	v26 =	vmul.f32 v27, v34;
	[tilespmem:s3+$0xFFFFFFD0] =	vst v19;
	v19 =	vadd.f32 v29, v19;
	v25 =	vmul.f32 v25, v5  }
0x261: {  	p0 =	por $0x1, $0x1;
	v29 =	vsel vm1, $0x1, v1;
	[tilespmem:s2+$0xFFFFFFF0] =	vst v28;
	vm1 =	vge.f32 v6, v28;
	v18 =	vadd.f32 v27, v28  }
0x262: {  	p0 =	por p0, p0;
	s15 =	simm.s32 $0x1;
	s16 =	sadd.s32 $0x2000, s16;
	v28 =	vadd.s32 v29, v30;
	[tilespmem:s3+$0xFFFFFFE0] =	vst v19;
	v27 =	vadd.f32 v63, v19;
	v19 =	vadd.f32 $1.000000050e-03, v57  }
.LBB2_14:
0x263: {  	s15 =	sadd.s32 $0x10, s15;
	v29 =	vld [tilespmem:s16+$0xFFFFF080];
	v30 =	vsel vm1, $0x1, v1;
	v31 =	vadd.f32 $1.000000050e-03, v13;
	v32 =	vmul.f32 v21, v5  }
0x264: {  	v13 =	vadd.f32 $1.000000050e-03, v20;
	v33 =	vld [tilespmem:s16+$0x380];
	p1 =	slt.u32 s15, $0x11;
	[tilespmem:s3+$0xFFFFFFF0] =	vst v27;
	v21 =	vadd.s32 v30, v28;
	v26 =	vadd.f32 v26, v27  }
0x265: {  	v9 =	vadd.f32 v22, v9;
	v28 =	vmul.f32 v24, v16;
	v30 =	vadd.f32 v10, v22;
	v27 =	vld [tilespmem:s16+$0x300];
	[tilespmem:s2+$0x0] =	vst v18  }
0x266: {  	v20 =	vadd.f32 v7, v11;
	v16 =	vadd.f32 $1.000000050e-03, v32;
	v10 =	vld [tilespmem:s16+$0x280];
	[tilespmem:s3+$0x0] =	vst v26  }
0x267: {  	v11 =	vld [tilespmem:s16+$0x200]  }
0x268: {  	vm3 =	vmmov vm0;
	v32 =	vadd.f32 v23, v18;
	v22 =	vmul.f32 $1.442695020e+00, v29;
	v29 =	vld [tilespmem:s16+$0xFFFFF200]  }
0x269: {  	v25 =	vadd.f32 $1.000000050e-03, v25;
	vm3 =	vmneg @p0 vm3;
	v23 =	vmul.f32 v23, v15;
	p0 =	por p1, p1;
	v34 =	vld [tilespmem:s16+$0x100]  }
0x26a: {  	v17 =	vadd.f32 $1.000000050e-03, v17;
	v24 =	vadd.f32 v24, v32;
	v35 =	vld [tilespmem:s16+$0x0];
	(erf) = vpow2.f32 v22;
	[tilespmem:s2+$0x10] =	vst v32  }
0x26b: {  	v36 =	vld [tilespmem:s16+$0x180];
	v15 =	vmul.f32 $1.442695020e+00, v10;
	v10 =	vadd.f32 v23, v26;
	v23 =	vmul.f32 v25, v9  }
0x26c: {  	v22 =	vmul.f32 $1.442695020e+00, v27;
	v26 =	vadd.f32 v17, v24;
	v9 =	vld [tilespmem:s16+$0xFFFFF180];
	v11 =	vmul.f32 $1.442695020e+00, v11;
	[tilespmem:s2+$0x20] =	vst v24  }
0x26d: {  	v14 =	vmul.f32 v17, v14;
	vm2 =	vge.f32 v6, v32;
	v27 =	vld [tilespmem:s16+$0xFFFFF300];
	[tilespmem:s3+$0x10] =	vst v10;
	v10 =	vadd.f32 v28, v10  }
0x26e: {  	v17 =	vmul.f32 $1.442695020e+00, v34;
	v28 =	vld [tilespmem:s16+$0x1000];
	(erf) = vpow2.f32 v11;
	[tilespmem:s2+$0x30] =	vst v26;
	v11 =	vadd.f32 v31, v26  }
0x26f: {  	v12 =	vmul.f32 v31, v12;
	vm4 =	vge.f32 v6, v26;
	v32 =	vld [tilespmem:s16+$0xFFFFF280];
	[tilespmem:s3+$0x20] =	vst v10;
	v10 =	vadd.f32 v14, v10  }
0x270: {  	v26 =	vmul.f32 $1.442695020e+00, v29;
	v29 =	vld [tilespmem:s16+$0x80];
	(erf) = vpow2.f32 v22;
	[tilespmem:s2+$0x40] =	vst v11;
	v14 =	vadd.f32 v25, v11  }
0x271: {  	v25 =	vmul.f32 $1.442695020e+00, v35;
	v22 =	vld [tilespmem:s16+$0xFFFFF100];
	v9 =	vmul.f32 $1.442695020e+00, v9;
	[tilespmem:s3+$0x30] =	vst v10;
	v12 =	vadd.f32 v12, v10  }
0x272: {  	v31 =	vmul.f32 $1.442695020e+00, v33;
	v27 =	vmul.f32 $1.442695020e+00, v27;
	v10 =	vld [tilespmem:s16+$0xFFFFF380];
	[tilespmem:s2+$0x50] =	vst v14;
	v33 =	vadd.f32 v19, v14  }
0x273: {  	s30 =	sadd.s32 $0x100, s30;
	vm5 =	vge.f32 v6, v11;
	v28 =	vmul.f32 $1.442695020e+00, v28;
	v34 =	vpop (erf);
	(erf) = vpow2.f32 v9;
	[tilespmem:s3+$0x40] =	vst v12  }
0x274: {  	s1 =	sadd.s32 $0x100, s1;
	[tilespmem:s30+$0xFFFFFF90] =	vst v34;
	v11 =	vmul.f32 $1.442695020e+00, v32;
	(erf) = vpow2.f32 v31;
	v31 =	vadd.f32 v13, v33  }
0x275: {  	vm1 =	vge.f32 v6, v33;
	v32 =	vld [tilespmem:s1+$0xFFFFFF80];
	v29 =	vmul.f32 $1.442695020e+00, v29;
	(erf) = vpow2.f32 v28;
	[tilespmem:s2+$0x60] =	vst v33  }
0x276: {  	v28 =	vmul.f32 $1.442695020e+00, v22;
	(erf) = vpow2.f32 v26;
	[tilespmem:s2+$0x70] =	vst v31;
	v26 =	vadd.f32 v16, v31  }
0x277: {  	v22 =	vsel vm1, $0x1, v1;
	v33 =	vmul.f32 $1.442695020e+00, v10;
	(erf) = vpow2.f32 v25;
	v9 =	vpop (erf)  }
0x278: {  	v25 =	vmul.f32 $1.442695020e+00, v36;
	[tilespmem:s30+$0x40] =	vst v9;
	(erf) = vpow2.f32 v11;
	vm6 =	vge.f32 v6, v26  }
0x279: {  	vm1 =	vge.f32 v6, v31;
	v35 =	vld [tilespmem:s1+$0x30];
	(erf) = vpow2.f32 v28;
	v10 =	vpop (erf);
	[tilespmem:s2+$0x80] =	vst v26;
	vm3 =	vmand vm3, vm6  }
0x27a: {  	v12 =	vadd.f32 v23, v12;
	v31 =	vmul.f32 v32, v5;
	[tilespmem:s30+$0x60] =	vst v10;
	(erf) = vpow2.f32 v33  }
0x27b: {  	v23 =	vmul.f32 v19, v30;
	v32 =	vadd.f32 v34, v7;
	(erf) = vpow2.f32 v25  }
0x27c: {  	v19 =	vsel vm3, $0x1, v1;
	v25 =	vadd.f32 $1.000000050e-03, v31;
	v28 =	vpop (erf);
	(erf) = vpow2.f32 v29;
	[tilespmem:s3+$0x50] =	vst v12  }
0x27d: {  	v8 =	vmul.f32 v13, v8;
	v23 =	vadd.f32 v23, v12;
	[tilespmem:s30+$0xFFFFFFB0] =	vst v28;
	(erf) = vpow2.f32 v17;
	v11 =	vpop (erf)  }
0x27e: {  	v29 =	vsel vm4, $0x1, v1;
	v17 =	vmul.f32 v25, v32;
	v12 =	vld [tilespmem:s1+$0xFFFFFFA0];
	v13 =	vmul.f32 v35, v5;
	[tilespmem:s30+$0x70] =	vst v11;
	v7 =	vpop (erf)  }
0x27f: {  	v16 =	vmul.f32 v16, v20;
	v8 =	vadd.f32 v8, v23;
	[tilespmem:s30+$0x80] =	vst v7;
	v30 =	vpop (erf);
	(erf) = vpow2.f32 v27  }
0x280: {  	vm3 =	vge.f32 v6, v24;
	v24 =	vsel vm5, $0x1, v1;
	[tilespmem:s30+$0xFFFFFFC0] =	vst v30;
	v27 =	vadd.f32 v30, v28;
	v20 =	vpop (erf)  }
0x281: {  	v33 =	vadd.f32 v16, v8;
	vm4 =	vge.f32 v6, v18;
	v18 =	vsel vm2, $0x1, v1;
	v31 =	vld [tilespmem:s1+$0xFFFFFFB0];
	[tilespmem:s30+$0x0] =	vst v20;
	v32 =	vpop (erf)  }
0x282: {  	v37 =	vsel vm3, $0x1, v1;
	v36 =	vsel vm4, $0x1, v1;
	v30 =	vadd.f32 v32, v30;
	v16 =	vld [tilespmem:s1+$0xFFFFFFF0];
	v35 =	vpop (erf);
	[tilespmem:s3+$0x70] =	vst v8  }
0x283: {  	v21 =	vadd.s32 v36, v21;
	[tilespmem:s30+$0xFFFFFFA0] =	vst v35;
	v34 =	vadd.f32 v35, v34;
	v28 =	vadd.f32 v28, v35;
	v8 =	vpop (erf)  }
0x284: {  	v18 =	vadd.s32 v18, v21;
	v36 =	vmul.f32 v12, v5;
	v35 =	vld [tilespmem:s1+$0xFFFFFF90];
	[tilespmem:s30+$0xFFFFFFF0] =	vst v8;
	v38 =	vadd.f32 v20, v8;
	v39 =	vpop (erf)  }
0x285: {  	v18 =	vadd.s32 v37, v18;
	[tilespmem:s30+$0x30] =	vst v39;
	v12 =	vadd.f32 v9, v39;
	v21 =	vld [tilespmem:s1+$0x50];
	v40 =	vpop (erf);
	(erf) = vpow2.f32 v15  }
0x286: {  	v18 =	vadd.s32 v29, v18;
	v31 =	vmul.f32 v31, v5;
	[tilespmem:s30+$0xFFFFFFD0] =	vst v32;
	v15 =	vadd.f32 v40, v20;
	v20 =	vld [tilespmem:s1+$0x20];
	v37 =	vpop (erf)  }
0x287: {  	vm2 =	vge.f32 v6, v14;
	v29 =	vmul.f32 v16, v5;
	[tilespmem:s30+$0x10] =	vst v40;
	v16 =	vadd.f32 v37, v40;
	v40 =	vld [tilespmem:s1+$0x60]  }
0x288: {  	v18 =	vadd.s32 v24, v18;
	v24 =	vsel vm2, $0x1, v1;
	v14 =	vadd.f32 v39, v37;
	v41 =	vld [tilespmem:s1+$0xFFFFFFC0];
	[tilespmem:s30+$0x20] =	vst v37;
	v37 =	vpop (erf)  }
0x289: {  	v35 =	vmul.f32 v35, v5;
	[tilespmem:s30+$0xFFFFFFE0] =	vst v37;
	v32 =	vadd.f32 v37, v32;
	v39 =	vld [tilespmem:s1+$0xFFFFFFE0];
	v37 =	vadd.f32 v8, v37  }
0x28a: {  	v18 =	vadd.s32 v24, v18;
	v8 =	vadd.f32 v11, v10;
	v42 =	vld [tilespmem:s1+$0xFFFFFFD0];
	v43 =	vmul.f32 v21, v5;
	[tilespmem:s3+$0x80] =	vst v33  }
0x28b: {  	v24 =	vadd.f32 v17, v33;
	v21 =	vadd.f32 v25, v26;
	v25 =	vld [tilespmem:s1+$0x0];
	v17 =	vmul.f32 v20, v5;
	[tilespmem:s3+$0x60] =	vst v23  }
0x28c: {  	s2 =	sadd.s32 $0x100, s2;
	v26 =	vadd.f32 $1.000000050e-03, v36;
	v23 =	vadd.f32 $1.000000050e-03, v35;
	v20 =	vmul.f32 v40, v5  }
0x28d: {  	v18 =	vadd.s32 v22, v18;
	v33 =	vsel vm1, $0x1, v1;
	s3 =	sadd.s32 $0x100, s3;
	vm2 =	vge.f32 v6, v21;
	[tilespmem:s2+$0xFFFFFF90] =	vst v21  }
0x28e: {  	v18 =	vadd.s32 v33, v18;
	v35 =	vmul.f32 v41, v5;
	[tilespmem:s3+$0xFFFFFF90] =	vst v24;
	v36 =	vmul.f32 v39, v5;
	v22 =	vpop (erf)  }
0x28f: {  	v31 =	vadd.f32 $1.000000050e-03, v31;
	v21 =	vadd.f32 v23, v21;
	v23 =	vmul.f32 v23, v34;
	v33 =	vld [tilespmem:s1+$0x10];
	[tilespmem:s30+$0x50] =	vst v22  }
0x290: {  	v34 =	vadd.f32 $1.000000050e-03, v35;
	v35 =	vmul.f32 v42, v5;
	v25 =	vmul.f32 v25, v5  }
0x291: {  	v24 =	vadd.f32 v23, v24;
	vm1 =	vge.f32 v6, v21;
	v36 =	vadd.f32 $1.000000050e-03, v36;
	[tilespmem:s2+$0xFFFFFFA0] =	vst v21  }
0x292: {  	v28 =	vmul.f32 v26, v28;
	v39 =	vsel vm1, $0x1, v1;
	v23 =	vadd.f32 $1.000000050e-03, v25  }
0x293: {  	v21 =	vadd.f32 v26, v21;
	v26 =	vmul.f32 v31, v27;
	v25 =	vsel vm2, $0x1, v1;
	[tilespmem:s3+$0xFFFFFFA0] =	vst v24  }
0x294: {  	v18 =	vadd.s32 v19, v18;
	v27 =	vadd.f32 $1.000000050e-03, v35;
	v33 =	vmul.f32 v33, v5  }
0x295: {  	v18 =	vadd.s32 v25, v18;
	v19 =	vadd.f32 v31, v21;
	v25 =	vmul.f32 v34, v30;
	[tilespmem:s2+$0xFFFFFFB0] =	vst v21  }
0x296: {  	v24 =	vadd.f32 v28, v24;
	vm1 =	vge.f32 v6, v21;
	v30 =	vmul.f32 v36, v37  }
0x297: {  	v31 =	vmul.f32 v27, v32;
	v21 =	vsel vm1, $0x1, v1;
	v28 =	vadd.f32 v34, v19;
	[tilespmem:s2+$0xFFFFFFC0] =	vst v19  }
0x298: {  	v18 =	vadd.s32 v39, v18;
	vm1 =	vge.f32 v6, v19;
	v19 =	vadd.f32 $1.000000050e-03, v29;
	[tilespmem:s3+$0xFFFFFFB0] =	vst v24;
	v29 =	vld [tilespmem:s1+$0x40]  }
0x299: {  	vm2 =	vge.f32 v6, v28;
	v27 =	vadd.f32 v27, v28;
	v24 =	vadd.f32 v26, v24;
	[tilespmem:s2+$0xFFFFFFD0] =	vst v28  }
0x29a: {  	v18 =	vadd.s32 v21, v18;
	v21 =	vsel vm1, $0x1, v1;
	v28 =	vsel vm2, $0x1, v1  }
.Ltmp5:
0x29b: {  	v18 =	vadd.s32 v21, v18;
	v26 =	vmul.f32 v19, v38;
	v25 =	vadd.f32 v25, v24;
	[tilespmem:s2+$0xFFFFFFE0] =	vst v27;
	v21 =	vld [tilespmem:s1+$0x70];
	(pc) =	sbr.rel @p1 .LBB2_14-.Ltmp5, $4  }
0x29c: {  	vm1 =	vge.f32 v6, v27;
	v27 =	vadd.f32 v36, v27;
	[tilespmem:s3+$0xFFFFFFC0] =	vst v24;
	v24 =	vadd.f32 $1.000000050e-03, v33  }
0x29d: {  	v28 =	vadd.s32 v28, v18;
	v31 =	vadd.f32 v31, v25;
	[tilespmem:s3+$0xFFFFFFD0] =	vst v25;
	v25 =	vmul.f32 v29, v5  }
0x29e: {  	v29 =	vsel vm1, $0x1, v1;
	vm1 =	vge.f32 v6, v27;
	v18 =	vadd.f32 v19, v27;
	[tilespmem:s2+$0xFFFFFFF0] =	vst v27  }
0x29f: {  	s16 =	sadd.s32 $0x2000, s16;
	v19 =	vadd.f32 $1.000000050e-03, v43;
	v28 =	vadd.s32 v29, v28;
	v27 =	vadd.f32 v30, v31;
	[tilespmem:s3+$0xFFFFFFE0] =	vst v31  }
0x2a0: {  	v29 =	vadd.f32 v23, v18  }
0x2a1: {  	v17 =	vadd.f32 $1.000000050e-03, v17;
	v13 =	vadd.f32 $1.000000050e-03, v13  }
0x2a2: {  	v9 =	vadd.f32 v22, v9;
	v10 =	vadd.f32 v10, v22;
	v15 =	vmul.f32 v23, v15  }
0x2a3: {  	v63 =	vsel vm1, $0x1, v1;
	v16 =	vmul.f32 v24, v16;
	v31 =	vadd.f32 $1.000000050e-03, v25  }
0x2a4: {  	v21 =	vmul.f32 v21, v5;
	v20 =	vadd.f32 $1.000000050e-03, v20;
	v30 =	vadd.f32 v24, v29  }
0x2a5: {  	vm1 =	vmmov vm0;
	vm4 =	vge.f32 v6, v18;
	v26 =	vadd.f32 v26, v27  }
0x2a6: {  	v23 =	vadd.s32 v63, v28;
	vm1 =	vmneg @p0 vm1;
	v62 =	vadd.f32 v17, v30  }
0x2a7: {  	[tilespmem:s2+$0x0] =	vst v18;
	v18 =	vsel vm4, $0x1, v1;
	v21 =	vadd.f32 $1.000000050e-03, v21;
	v14 =	vmul.f32 v17, v14  }
0x2a8: {  	v9 =	vmul.f32 v31, v9;
	vm2 =	vge.f32 v6, v29;
	v32 =	vadd.f32 v13, v62  }
0x2a9: {  	v12 =	vmul.f32 v13, v12;
	v18 =	vadd.s32 v18, v23;
	v15 =	vadd.f32 v15, v26  }
0x2aa: {  	[tilespmem:s3+$0xFFFFFFF0] =	vst v27;
	v10 =	vmul.f32 v19, v10;
	v38 =	vsel vm2, $0x1, v1;
	v33 =	vadd.f32 v31, v32  }
0x2ab: {  	[tilespmem:s2+$0x10] =	vst v29;
	vm14 =	vge.f32 v6, v30;
	v39 =	vadd.s32 v38, v18;
	v16 =	vadd.f32 v16, v15  }
0x2ac: {  	[tilespmem:s3+$0x0] =	vst v26;
	v40 =	vsel vm14, $0x1, v1;
	vm3 =	vge.f32 v6, v62;
	v34 =	vadd.f32 v19, v33  }
0x2ad: {  	[tilespmem:s3+$0x10] =	vst v15;
	v15 =	vadd.s32 v40, v39;
	v14 =	vadd.f32 v14, v16;
	v41 =	vsel vm3, $0x1, v1  }
0x2ae: {  	[tilespmem:s2+$0x20] =	vst v30;
	vm5 =	vge.f32 v6, v32;
	v15 =	vadd.s32 v41, v15;
	v35 =	vadd.f32 v20, v34  }
0x2af: {  	[tilespmem:s2+$0x30] =	vst v62;
	v12 =	vadd.f32 v12, v14;
	v42 =	vsel vm5, $0x1, v1;
	vm3 =	vge.f32 v6, v33  }
0x2b0: {  	[tilespmem:s3+$0x20] =	vst v16;
	v15 =	vadd.s32 v42, v15;
	v43 =	vsel vm3, $0x1, v1;
	v36 =	vadd.f32 v21, v35  }
0x2b1: {  	[tilespmem:s2+$0x40] =	vst v32;
	v9 =	vadd.f32 v9, v12;
	vm13 =	vge.f32 v6, v34;
	v44 =	vadd.s32 v43, v15  }
0x2b2: {  	[tilespmem:s3+$0x30] =	vst v14;
	v37 =	vsel vm13, $0x1, v1;
	vm15 =	vge.f32 v6, v35;
	vm2 =	vge.f32 v6, v36  }
0x2b3: {  	[tilespmem:s2+$0x50] =	vst v33;
	v14 =	vadd.s32 v37, v44;
	v46 =	vsel vm15, $0x1, v1;
	vm1 =	vmand vm1, vm2  }
0x2b4: {  	v7 =	vadd.f32 v7, v11;
	[tilespmem:s3+$0x40] =	vst v12;
	v47 =	vadd.s32 v46, v14;
	v45 =	vsel vm1, $0x1, v1  }
0x2b5: {  	v8 =	vmul.f32 v20, v8;
	[tilespmem:s2+$0x60] =	vst v34;
	v10 =	vadd.f32 v10, v9;
	v11 =	vadd.s32 v45, v47  }
0x2b6: {  	[tilespmem:s3+$0x50] =	vst v9;
	v11 =	vshll.u32 v11, $0x4  }
0x2b7: {  	v7 =	vmul.f32 v21, v7;
	[tilespmem:s2+$0x70] =	vst v35;
	v8 =	vadd.f32 v8, v10;
	v48 =	vor.u32 v2, v11  }
0x2b8: {  	[tilespmem:s3+$0x60] =	vst v10  }
0x2b9: {  	[tilespmem:s2+$0x80] =	vst v36;
	v7 =	vadd.f32 v7, v8  }
0x2ba: {  	[tilespmem:s3+$0x70] =	vst v8  }
0x2bb: {  	[tilespmem:s3+$0x80] =	vst v7  }
0x2bc: {  	v8 =	vld.idx.msk [tilespmem:v48+s10+$0x0], $0xffff;
	_ =	sdelay $0x2  }
0x2bd: {  	(erf) = vrcp.f32 v7;
	_ =	sdelay $0x1  }
0x2be: {  	v49 =	vadd.s32 v3, v11;
	v5 =	vmul.f32 v8, v5;
	_ =	sdelay $0x1  }
0x2bf: {  	v5 =	vadd.f32 $1.000000050e-03, v5;
	_ =	sdelay $0x1  }
0x2c0: {  	v50 =	vld.idx.msk [tilespmem:v48+s13+$0x0], $0xffff;
	(erf) = vrcp.f32 v5  }
0x2c1: {  	v7 =	vld.idx.msk [tilespmem:v49+s13+$0x0], $0xffff  }
0x2c2: {  	v10 =	vld.idx.msk [tilespmem:v48+s0+$0x0], $0xffff  }
0x2c3: {  	v51 =	vpop (erf)  }
0x2c4: {  	v9 =	vmul.f32 $9.990000120e-01, v51;
	_ =	sdelay $0x1  }
0x2c5: {  	v8 =	vmul.f32 v50, v9;
	v7 =	vmul.f32 v7, v9  }
0x2c6: {  	v52 =	vsub.f32 v6, v10  }
0x2c7: {  	v8 =	vadd.f32 $5.000000240e-04, v8;
	v7 =	vadd.f32 $5.000000240e-04, v7  }
0x2c8: {  	v53 =	vpop (erf)  }
0x2c9: {  	v7 =	vsub.f32 v7, v8;
	v6 =	vmul.f32 v53, v52;
	_ =	sdelay $0x1  }
0x2ca: {  	v7 =	vmul.f32 v7, v6;
	_ =	sdelay $0x1  }
0x2cb: {  	v54 =	vadd.f32 v7, v8;
	_ =	sdelay $0x1  }
0x2cc: {  	v11 =	vadd.f32 v54, v54;
	_ =	sdelay $0x1  }
0x2cd: {  	v55 =	vand.u32 $0x7FFFFF, v11  }
0x2ce: {  	v13 =	vor.u32 $0x3F800000, v55  }
0x2cf: {  	v56 =	vmul.f32 $5.000000000e-01, v13  }
0x2d0: {  	vm1 =	vgt.f32 v13, $1.414213540e+00  }
0x2d1: {  	v13 =	vsel vm1, v56, v13  }
0x2d2: {  	v14 =	vadd.f32 $1.000000000e+00, v13;
	_ =	sdelay $0x1  }
0x2d3: {  	(erf) = vrcp.f32 v14;
	_ =	sdelay $0x7  }
0x2d4: {  	v13 =	vadd.f32 $-1.000000000e+00, v13  }
0x2d5: {  	v14 =	vpop (erf)  }
0x2d6: {  	v13 =	vmul.f32 v14, v13;
	_ =	sdelay $0x1  }
0x2d7: {  	v12 =	vld.idx.msk [tilespmem:v48+s6+$0x0], $0xffff;
	v14 =	vmul.f32 v13, v13;
	_ =	sdelay $0x1  }
0x2d8: {  	v57 =	vmul.f32 $2.857142980e-01, v14  }
0x2d9: {  	v8 =	vadd.f32 v8, v8  }
0x2da: {  	v10 =	vmul.f32 $1.000000050e-03, v10;
	v15 =	vadd.f32 $4.000000060e-01, v57  }
0x2db: {  	v9 =	vmul.f32 v12, v9;
	v5 =	vmul.f32 v6, v5;
	v58 =	vadd.f32 v7, v8  }
0x2dc: {  	v59 =	vmul.f32 v15, v14  }
0x2dd: {  	v60 =	vadd.f32 v9, v10;
	v5 =	vmul.f32 v58, v5  }
0x2de: {  	v61 =	vshrl.u32 v11, $0x17;
	v7 =	vadd.f32 $6.666666860e-01, v59  }
0x2df: {  	v6 =	vadd.s32 $0xFFFFFF81, v61;
	v5 =	vadd.f32 v5, v60  }
0x2e0: {  	v6 =	vcvt.s32.f32 v6;
	v7 =	vmul.f32 v7, v14  }
0x2e1: {  	v62 =	vsel vm1, $0x3F800000, v0;
	v5 =	vmax.f32 v5, $0.0e+00  }
0x2e2: {  	v6 =	vadd.f32 v6, v62;
	v5 =	vmin.f32 v5, $1.000000000e+00;
	v7 =	vadd.f32 $2.000000000e+00, v7  }
0x2e3: {  	s28 =	sadd.s32 $0x1, s28;
	v5 =	vmul.f32 $6.000000000e+00, v5  }
0x2e4: {  	p0 =	sne.s32 s28, $0x20;
	v6 =	vmul.f32 $6.931471820e-01, v6;
	v7 =	vmul.f32 v7, v13  }
.Ltmp6:
0x2e5: {  	v63 =	vand.u32 $0x7FFFFFFF, v4;
	v5 =	vadd.f32 $-3.000000000e+00, v5;
	(pc) =	sbr.rel @p0 .LBB2_11-.Ltmp6, $4  }
0x2e6: {  	vm1 =	vle.f32 v63, $3.000000000e+00;
	v6 =	vadd.f32 v7, v6  }
0x2e7: {  	v4 =	vsel vm1, v5, v4  }
0x2e8: {  	[tilespmem:s29+$0x12400] =	vst v4;
	v4 =	vnsel vm1, $0x0, v6  }
0x2e9: {  	s26 =	sadd.s32 $0x200, s26;
	s25 =	sadd.s32 $0x1, s25;
	[tilespmem:s29+$0x12600] =	vst v4  }
0x2ea: {  	s1 =	sadd.s32 s4, s24  }
0x2eb: {  	[hbm4b:s1+s18] =	stream.strided.scatter [tilespmem:s12], [sflag:$0x3], $0x200, s23, s18, $0x38;
	[tilespmem:$0x13180] =	vst v63  }
0x2ec: {  	s22 =	sadd.s32 $0x1, s22;
	_ =	swait.ge [sflag:s17], $0x200  }
0x2ed: {  	p0 =	sne.s32 s22, $0x20;
	[sflag:s17] =	ssyncset.done $0x0  }
.Ltmp7:
0x2ee: {  	s30 =	sadd.s32 s5, s24;
	[sflag:s17] =	ssyncadd.s32 $0xFFFFFE00;
	(pc) =	sbr.rel @p0 .LBB2_2-.Ltmp7, $4  }
0x2ef: {  	[hbm4b:s30+s18] =	stream.strided.scatter [tilespmem:s20], [sflag:$0x3], $0x200, s23, s18, $0x38;
	[tilespmem:$0x13180] =	vst v63  }
0x2f0: {  	_ =	swait.ge [sflag:s17], $0x200  }
0x2f1: {  	[sflag:s17] =	ssyncset.done $0x0  }
0x2f2: {  	[sflag:s17] =	ssyncadd.s32 $0xFFFFFE00  }
0x2f3: {  	s2 =	rddreg [dreg:$0x1d]  }
0x2f4: {  	s1 =	rddreg [dreg:$0x9];
	s2 =	sadd.s32 $0x1, s2  }
0x2f5: {  	p0 =	sne.s32 s2, s1  }
.Ltmp8:
0x2f6: {  	_ = 	snop;
	(pc) =	sbr.rel @p0 .LBB2_1-.Ltmp8, $1  }
0x2f7: {  	_ =	sdelay $0x3  }
0x2f8: {  	_ =	sfence.sel $0x180000  }
0x2f9: {  	[bflag:$0x0] =	sbarrier.arrive $0xFFFF  }
0x2fa: {  	_ =	strace $0x90000047  }
0x2fb: {  	s0 =	stileid.u32;
	[bflag:$0x2] =	sbarrier.arrive $0xFFFF  }
0x2fc: {  	p0 =	sne.s32 s0, $0x0;
	s0 =	rddreg [dreg:$0x5]  }
0x2fd: {  	s0 =	sadd.s32 @!p0 $0x100000, s0  }
0x2fe: {  	[sflag:s0] =	ssyncadd.tile.s32 @!p0 $0x1;
	_ =	shalt  }
.Lfunc_end2:
_tile_overlayer_lowered:
.L_overlay_start_2:
0x2ff: {  	(tag) =	ssettag $0x2  }
0x300: {  	s0 =	rddreg [dreg:$0x0];
	s2 =	stileid.u32  }
0x301: {  	s1 =	rddreg [dreg:$0x1];
	p0 =	sne.s32 s2, $0x0  }
0x302: {  	s3 =	rddreg [dreg:$0x2];
	[bflag:$0x3] =	sbarrier.arrive $0xFFFF;
	s2 =	simm.s32 @!p0 $0x1C03  }
0x303: {  	[timem:s3], [sflag:s2] =	dma.local @!p0 [hbm:s0], s1  }
0x304: {  	s0 =	simm.s32 @!p0 $0x3  }
0x305: {  	_ =	swait.ge @!p0 [sflag:s0], s1  }
0x306: {  	s1 =	ssub.s32 @!p0 $0x0, s1;
	[sflag:s0] =	ssyncset.done @!p0 $0x0  }
0x307: {  	[sflag:s0] =	ssyncadd.s32 @!p0 s1  }
0x308: {  	[bflag:$0x3] =	sbarrier.arrive $0xFFFF  }
0x309: {  	_ =	shalt  }

</sc_bundles>
